<compile_context>
chip_gen: v7x
topology: tpu7x:2x2x1
jax: 0.10.2.dev20260603
libtpu: 0.0.44.dev20260713+nightly
codegen_flags: <defaults>
</compile_context>

<pallas_src>
import functools

import jax
import jax.numpy as jnp
from jax import lax
from jax.experimental import pallas as pl
from jax.experimental.pallas import tpu as pltpu
from jax.experimental.pallas import tpu_sc as plsc

N_FAMILY = 100000
DIM_FAMILY = 128
N_CHAR = 1000
DIM_CHAR = 64
BATCH = 4096
DIM_OUT = DIM_FAMILY + DIM_CHAR

NUM_CORES = 2
NUM_SUBCORES = 16
NUM_WORKERS = NUM_CORES * NUM_SUBCORES
BW = BATCH // NUM_WORKERS
DT = DIM_OUT // 8

_mesh = plsc.VectorSubcoreMesh(core_axis_name="c", subcore_axis_name="s")


@functools.partial(
    pl.kernel,
    mesh=_mesh,
    compiler_params=pltpu.CompilerParams(use_tc_tiling_on_sc=False,
                                         needs_layout_passes=False),
    out_type=jax.ShapeDtypeStruct((DT, NUM_WORKERS, 8, BW), jnp.float32),
    scratch_types=[
        pltpu.VMEM((BW,), jnp.int32),
        pltpu.VMEM((BW,), jnp.int32),
        pltpu.VMEM((BW, DIM_FAMILY), jnp.float32),
        pltpu.VMEM((BW, DIM_CHAR), jnp.float32),
        pltpu.VMEM((DT, 1, 8, BW + 1), jnp.float32),
        pltpu.SemaphoreType.DMA,
        pltpu.SemaphoreType.DMA,
        pltpu.SemaphoreType.DMA,
    ],
)
def _embed(font_hbm, char_hbm, fam_tab, chr_tab, out_hbm,
           fidx_v, cidx_v, fam_v, chr_v, tr_v, sem_i, sem_f, sem_c):
    wid = lax.axis_index("s") * NUM_CORES + lax.axis_index("c")
    base = wid * BW
    cp_fi = pltpu.async_copy(font_hbm.at[pl.ds(base, BW)], fidx_v, sem_i)
    cp_ci = pltpu.async_copy(char_hbm.at[pl.ds(base, BW)], cidx_v, sem_i)
    cp_fi.wait()
    cp_f = pltpu.async_copy(fam_tab.at[fidx_v], fam_v, sem_f)
    cp_ci.wait()
    cp_c = pltpu.async_copy(chr_tab.at[cidx_v], chr_v, sem_c)

    lane = lax.iota(jnp.int32, 16)
    zero16 = jnp.zeros((16,), jnp.int32)
    fam_dt = [(lane + (j * 16)) // 8 for j in range(DIM_FAMILY // 16)]
    fam_dr = [(lane + (j * 16)) % 8 for j in range(DIM_FAMILY // 16)]
    chr_dt = [(lane + (DIM_FAMILY + j * 16)) // 8 for j in range(DIM_CHAR // 16)]
    chr_dr = [(lane + (j * 16)) % 8 for j in range(DIM_CHAR // 16)]

    cp_f.wait()
    cp_c.wait()

    @plsc.parallel_loop(0, BW)
    def tr_row(b):
        bvec = jnp.full((16,), b, jnp.int32)
        for j in range(DIM_FAMILY // 16):
            v = fam_v[b, pl.ds(j * 16, 16)]
            plsc.store_scatter(tr_v, [fam_dt[j], zero16, fam_dr[j], bvec], v)
        for j in range(DIM_CHAR // 16):
            v = chr_v[b, pl.ds(j * 16, 16)]
            plsc.store_scatter(tr_v, [chr_dt[j], zero16, chr_dr[j], bvec], v)
    pltpu.sync_copy(tr_v.at[:, :, :, pl.ds(0, BW)],
                    out_hbm.at[:, pl.ds(wid, 1), :, :])


def kernel(font_idx, char_idx, family_table, char_table):
    out4 = _embed(font_idx.astype(jnp.int32), char_idx.astype(jnp.int32),
                  family_table, char_table)
    return jnp.transpose(out4, (1, 3, 0, 2)).reshape(BATCH, DIM_OUT)

# --- scband reference (transcript-rebuilt; emitter-appended) ---
"""Pipeline reference for scband-family-char-embed-53584011985592 (READ-ONLY COPY).

The authoritative reference and input builder live on the scoring server;
editing this copy changes nothing except your own understanding.
"""

import jax, jax.numpy as jnp
import numpy as np

N_FAMILY = 100000
DIM_FAMILY = 128
N_CHAR = 1000
DIM_CHAR = 64
BATCH = 4096


def setup_inputs(seed: int = 0) -> dict:
    key = jax.random.key(seed)
    k1, k2, k3, k4 = jax.random.split(key, 4)
    font_idx = jax.random.randint(k1, (BATCH,), 0, N_FAMILY, dtype=jnp.int64 if jax.config.jax_enable_x64 else jnp.int32)
    char_idx = jax.random.randint(k2, (BATCH,), 0, N_CHAR, dtype=jnp.int64 if jax.config.jax_enable_x64 else jnp.int32)
    family_table = jax.random.normal(k3, (N_FAMILY, DIM_FAMILY), dtype=jnp.float32)
    char_table = jax.random.normal(k4, (N_CHAR, DIM_CHAR), dtype=jnp.float32)
    return {
        "font_idx": font_idx,
        "char_idx": char_idx,
        "family_table": family_table,
        "char_table": char_table,
    }


def reference(font_idx, char_idx, family_table, char_table):
    embed_fam = jnp.take(family_table, font_idx, axis=0)
    embed_chr = jnp.take(char_table, char_idx, axis=0)
    out = jnp.concatenate([embed_fam, embed_chr], axis=-1)
    return out

if __name__ == "__main__":
    import jax
    _d = setup_inputs()
    print(jax.jit(kernel)(*tuple(_d.values())))

</pallas_src>

<mosaic_0001>
#map = affine_map<(d0, d1) -> (0)>
#map1 = affine_map<(d0, d1) -> (0, 0)>
#map2 = affine_map<(d0, d1) -> (0, 0, 0, 0)>
module attributes {stable_mosaic.version = 14 : i64} {
  func.func @_embed(%arg0: i32, %arg1: i32, %arg2: memref<4096xi32, #tpu.memory_space<hbm>>, %arg3: memref<4096xi32, #tpu.memory_space<hbm>>, %arg4: memref<100000x128xf32, #tpu.memory_space<hbm>>, %arg5: memref<1000x64xf32, #tpu.memory_space<hbm>>, %arg6: memref<24x32x8x128xf32, #tpu.memory_space<hbm>>, %arg7: memref<128xi32, #tpu.memory_space<vmem>>, %arg8: memref<128xi32, #tpu.memory_space<vmem>>, %arg9: memref<128x128xf32, #tpu.memory_space<vmem>>, %arg10: memref<128x64xf32, #tpu.memory_space<vmem>>, %arg11: memref<24x1x8x129xf32, #tpu.memory_space<vmem>>, %arg12: memref<!tpu.dma_semaphore, #tpu.memory_space<semaphore_mem>>, %arg13: memref<!tpu.dma_semaphore, #tpu.memory_space<semaphore_mem>>, %arg14: memref<!tpu.dma_semaphore, #tpu.memory_space<semaphore_mem>>) attributes {dimension_semantics = [#tpu.dimension_semantics<core_parallel>, #tpu.dimension_semantics<subcore_parallel>], iteration_bounds = array<i64: 2, 16>, scalar_prefetch = 0 : i64, scratch_operands = 8 : i64, tpu.core_type = #tpu.core_type<sc_vector_subcore>, window_params = [{transform_indices = #map}, {transform_indices = #map}, {transform_indices = #map1}, {transform_indices = #map1}, {transform_indices = #map2}]} {
    %mul3A = arith.constant 2 : i32
    %mul3A_0 = arith.muli %arg1, %mul3A : i32
    %add3A = arith.addi %mul3A_0, %arg0 : i32
    %mul3A_1 = arith.constant 128 : i32
    %mul3A_2 = arith.muli %add3A, %mul3A_1 : i32
    %dma_start3A = tpu.memref_slice %arg2[%mul3A_2] : memref<4096xi32, #tpu.memory_space<hbm>> -> memref<128xi32, #tpu.memory_space<hbm>>
    %dma_start3A_3 = tpu.memref_slice %arg2[%mul3A_2] : memref<4096xi32, #tpu.memory_space<hbm>> -> memref<128xi32, #tpu.memory_space<hbm>>
    tpu.enqueue_dma source(%dma_start3A_3 : memref<128xi32, #tpu.memory_space<hbm>>) target(%arg7 : memref<128xi32, #tpu.memory_space<vmem>>) target_semaphore(%arg12 : memref<!tpu.dma_semaphore, #tpu.memory_space<semaphore_mem>>)
    %dma_start3A_4 = tpu.memref_slice %arg3[%mul3A_2] : memref<4096xi32, #tpu.memory_space<hbm>> -> memref<128xi32, #tpu.memory_space<hbm>>
    %dma_start3A_5 = tpu.memref_slice %arg3[%mul3A_2] : memref<4096xi32, #tpu.memory_space<hbm>> -> memref<128xi32, #tpu.memory_space<hbm>>
    tpu.enqueue_dma source(%dma_start3A_5 : memref<128xi32, #tpu.memory_space<hbm>>) target(%arg8 : memref<128xi32, #tpu.memory_space<vmem>>) target_semaphore(%arg12 : memref<!tpu.dma_semaphore, #tpu.memory_space<semaphore_mem>>)
    %dma_wait3A = tpu.memref_slice %arg2[%mul3A_2] : memref<4096xi32, #tpu.memory_space<hbm>> -> memref<128xi32, #tpu.memory_space<hbm>>
    %dma_wait3A_6 = tpu.memref_slice %arg2[%mul3A_2] : memref<4096xi32, #tpu.memory_space<hbm>> -> memref<128xi32, #tpu.memory_space<hbm>>
    tpu.wait_dma2 semaphore(%arg12 : memref<!tpu.dma_semaphore, #tpu.memory_space<semaphore_mem>>) src(%dma_wait3A_6 : memref<128xi32, #tpu.memory_space<hbm>>) dst(%arg7 : memref<128xi32, #tpu.memory_space<vmem>>)
    %dma_start3A_7 = arith.constant 0 : i32
    %dma_start3A_8 = arith.constant 0 : i32
    %dma_start3A_9 = tpu.memref_slice %arg4[%dma_start3A_7, %dma_start3A_8] : memref<100000x128xf32, #tpu.memory_space<hbm>> -> memref<100000x128xf32, #tpu.memory_space<hbm>>
    tpu.enqueue_indirect_dma source(%dma_start3A_9 : memref<100000x128xf32, #tpu.memory_space<hbm>>) target(%arg9 : memref<128x128xf32, #tpu.memory_space<vmem>>) offsets(%arg7 : memref<128xi32, #tpu.memory_space<vmem>>) semaphore(%arg13 : memref<!tpu.dma_semaphore, #tpu.memory_space<semaphore_mem>>)
    %dma_wait3A_10 = tpu.memref_slice %arg3[%mul3A_2] : memref<4096xi32, #tpu.memory_space<hbm>> -> memref<128xi32, #tpu.memory_space<hbm>>
    %dma_wait3A_11 = tpu.memref_slice %arg3[%mul3A_2] : memref<4096xi32, #tpu.memory_space<hbm>> -> memref<128xi32, #tpu.memory_space<hbm>>
    tpu.wait_dma2 semaphore(%arg12 : memref<!tpu.dma_semaphore, #tpu.memory_space<semaphore_mem>>) src(%dma_wait3A_11 : memref<128xi32, #tpu.memory_space<hbm>>) dst(%arg8 : memref<128xi32, #tpu.memory_space<vmem>>)
    %dma_start3A_12 = arith.constant 0 : i32
    %dma_start3A_13 = arith.constant 0 : i32
    %dma_start3A_14 = tpu.memref_slice %arg5[%dma_start3A_12, %dma_start3A_13] : memref<1000x64xf32, #tpu.memory_space<hbm>> -> memref<1000x64xf32, #tpu.memory_space<hbm>>
    tpu.enqueue_indirect_dma source(%dma_start3A_14 : memref<1000x64xf32, #tpu.memory_space<hbm>>) target(%arg10 : memref<128x64xf32, #tpu.memory_space<vmem>>) offsets(%arg8 : memref<128xi32, #tpu.memory_space<vmem>>) semaphore(%arg14 : memref<!tpu.dma_semaphore, #tpu.memory_space<semaphore_mem>>)
    %iota3A = tpu.iota {dimensions = array<i32: 0>} : vector<16xi32>
    %broadcast_in_dim3A = arith.constant 0 : i32
    %broadcast_in_dim3A_15 = vector.broadcast %broadcast_in_dim3A : i32 to vector<16xi32>
    %add3A_16 = arith.constant 0 : i32
    %add3A_17 = vector.broadcast %add3A_16 : i32 to vector<16xi32>
    %add3A_18 = arith.addi %iota3A, %add3A_17 : vector<16xi32>
    %jit3A = arith.constant 8 : i32
    %div3A = vector.broadcast %jit3A : i32 to vector<16xi32>
    %div3A_19 = arith.divsi %add3A_18, %div3A : vector<16xi32>
    %sign3A = arith.constant 0 : i32
    %sign3A_20 = vector.broadcast %sign3A : i32 to vector<16xi32>
    %sign3A_21 = arith.cmpi sgt, %add3A_18, %sign3A_20 : vector<16xi32>
    %sign3A_22 = arith.extui %sign3A_21 : vector<16xi1> to vector<16xi32>
    %sign3A_23 = arith.constant 0 : i32
    %sign3A_24 = vector.broadcast %sign3A_23 : i32 to vector<16xi32>
    %sign3A_25 = arith.cmpi slt, %add3A_18, %sign3A_24 : vector<16xi32>
    %sign3A_26 = arith.extui %sign3A_25 : vector<16xi1> to vector<16xi32>
    %sign3A_27 = arith.subi %sign3A_22, %sign3A_26 : vector<16xi32>
    %sign3A_28 = arith.constant 0 : i32
    %sign3A_29 = arith.cmpi sgt, %jit3A, %sign3A_28 : i32
    %sign3A_30 = arith.extui %sign3A_29 : i1 to i32
    %sign3A_31 = arith.constant 0 : i32
    %sign3A_32 = arith.cmpi slt, %jit3A, %sign3A_31 : i32
    %sign3A_33 = arith.extui %sign3A_32 : i1 to i32
    %sign3A_34 = arith.subi %sign3A_30, %sign3A_33 : i32
    %ne3A = vector.broadcast %sign3A_34 : i32 to vector<16xi32>
    %ne3A_35 = arith.cmpi ne, %sign3A_27, %ne3A : vector<16xi32>
    %rem3A = vector.broadcast %jit3A : i32 to vector<16xi32>
    %rem3A_36 = arith.remsi %add3A_18, %rem3A : vector<16xi32>
    %ne3A_37 = arith.constant 0 : i32
    %ne3A_38 = vector.broadcast %ne3A_37 : i32 to vector<16xi32>
    %ne3A_39 = arith.cmpi ne, %rem3A_36, %ne3A_38 : vector<16xi32>
    %and3A = arith.andi %ne3A_35, %ne3A_39 : vector<16xi1>
    %sub3A = arith.constant 1 : i32
    %sub3A_40 = vector.broadcast %sub3A : i32 to vector<16xi32>
    %sub3A_41 = arith.subi %div3A_19, %sub3A_40 : vector<16xi32>
    %select_n3A = arith.select %and3A, %sub3A_41, %div3A_19 : vector<16xi1>, vector<16xi32>
    %add3A_42 = arith.constant 16 : i32
    %add3A_43 = vector.broadcast %add3A_42 : i32 to vector<16xi32>
    %add3A_44 = arith.addi %iota3A, %add3A_43 : vector<16xi32>
    %jit3A_45 = arith.constant 8 : i32
    %div3A_46 = vector.broadcast %jit3A_45 : i32 to vector<16xi32>
    %div3A_47 = arith.divsi %add3A_44, %div3A_46 : vector<16xi32>
    %sign3A_48 = arith.constant 0 : i32
    %sign3A_49 = vector.broadcast %sign3A_48 : i32 to vector<16xi32>
    %sign3A_50 = arith.cmpi sgt, %add3A_44, %sign3A_49 : vector<16xi32>
    %sign3A_51 = arith.extui %sign3A_50 : vector<16xi1> to vector<16xi32>
    %sign3A_52 = arith.constant 0 : i32
    %sign3A_53 = vector.broadcast %sign3A_52 : i32 to vector<16xi32>
    %sign3A_54 = arith.cmpi slt, %add3A_44, %sign3A_53 : vector<16xi32>
    %sign3A_55 = arith.extui %sign3A_54 : vector<16xi1> to vector<16xi32>
    %sign3A_56 = arith.subi %sign3A_51, %sign3A_55 : vector<16xi32>
    %sign3A_57 = arith.constant 0 : i32
    %sign3A_58 = arith.cmpi sgt, %jit3A_45, %sign3A_57 : i32
    %sign3A_59 = arith.extui %sign3A_58 : i1 to i32
    %sign3A_60 = arith.constant 0 : i32
    %sign3A_61 = arith.cmpi slt, %jit3A_45, %sign3A_60 : i32
    %sign3A_62 = arith.extui %sign3A_61 : i1 to i32
    %sign3A_63 = arith.subi %sign3A_59, %sign3A_62 : i32
    %ne3A_64 = vector.broadcast %sign3A_63 : i32 to vector<16xi32>
    %ne3A_65 = arith.cmpi ne, %sign3A_56, %ne3A_64 : vector<16xi32>
    %rem3A_66 = vector.broadcast %jit3A_45 : i32 to vector<16xi32>
    %rem3A_67 = arith.remsi %add3A_44, %rem3A_66 : vector<16xi32>
    %ne3A_68 = arith.constant 0 : i32
    %ne3A_69 = vector.broadcast %ne3A_68 : i32 to vector<16xi32>
    %ne3A_70 = arith.cmpi ne, %rem3A_67, %ne3A_69 : vector<16xi32>
    %and3A_71 = arith.andi %ne3A_65, %ne3A_70 : vector<16xi1>
    %sub3A_72 = arith.constant 1 : i32
    %sub3A_73 = vector.broadcast %sub3A_72 : i32 to vector<16xi32>
    %sub3A_74 = arith.subi %div3A_47, %sub3A_73 : vector<16xi32>
    %select_n3A_75 = arith.select %and3A_71, %sub3A_74, %div3A_47 : vector<16xi1>, vector<16xi32>
    %add3A_76 = arith.constant 32 : i32
    %add3A_77 = vector.broadcast %add3A_76 : i32 to vector<16xi32>
    %add3A_78 = arith.addi %iota3A, %add3A_77 : vector<16xi32>
    %jit3A_79 = arith.constant 8 : i32
    %div3A_80 = vector.broadcast %jit3A_79 : i32 to vector<16xi32>
    %div3A_81 = arith.divsi %add3A_78, %div3A_80 : vector<16xi32>
    %sign3A_82 = arith.constant 0 : i32
    %sign3A_83 = vector.broadcast %sign3A_82 : i32 to vector<16xi32>
    %sign3A_84 = arith.cmpi sgt, %add3A_78, %sign3A_83 : vector<16xi32>
    %sign3A_85 = arith.extui %sign3A_84 : vector<16xi1> to vector<16xi32>
    %sign3A_86 = arith.constant 0 : i32
    %sign3A_87 = vector.broadcast %sign3A_86 : i32 to vector<16xi32>
    %sign3A_88 = arith.cmpi slt, %add3A_78, %sign3A_87 : vector<16xi32>
    %sign3A_89 = arith.extui %sign3A_88 : vector<16xi1> to vector<16xi32>
    %sign3A_90 = arith.subi %sign3A_85, %sign3A_89 : vector<16xi32>
    %sign3A_91 = arith.constant 0 : i32
    %sign3A_92 = arith.cmpi sgt, %jit3A_79, %sign3A_91 : i32
    %sign3A_93 = arith.extui %sign3A_92 : i1 to i32
    %sign3A_94 = arith.constant 0 : i32
    %sign3A_95 = arith.cmpi slt, %jit3A_79, %sign3A_94 : i32
    %sign3A_96 = arith.extui %sign3A_95 : i1 to i32
    %sign3A_97 = arith.subi %sign3A_93, %sign3A_96 : i32
    %ne3A_98 = vector.broadcast %sign3A_97 : i32 to vector<16xi32>
    %ne3A_99 = arith.cmpi ne, %sign3A_90, %ne3A_98 : vector<16xi32>
    %rem3A_100 = vector.broadcast %jit3A_79 : i32 to vector<16xi32>
    %rem3A_101 = arith.remsi %add3A_78, %rem3A_100 : vector<16xi32>
    %ne3A_102 = arith.constant 0 : i32
    %ne3A_103 = vector.broadcast %ne3A_102 : i32 to vector<16xi32>
    %ne3A_104 = arith.cmpi ne, %rem3A_101, %ne3A_103 : vector<16xi32>
    %and3A_105 = arith.andi %ne3A_99, %ne3A_104 : vector<16xi1>
    %sub3A_106 = arith.constant 1 : i32
    %sub3A_107 = vector.broadcast %sub3A_106 : i32 to vector<16xi32>
    %sub3A_108 = arith.subi %div3A_81, %sub3A_107 : vector<16xi32>
    %select_n3A_109 = arith.select %and3A_105, %sub3A_108, %div3A_81 : vector<16xi1>, vector<16xi32>
    %add3A_110 = arith.constant 48 : i32
    %add3A_111 = vector.broadcast %add3A_110 : i32 to vector<16xi32>
    %add3A_112 = arith.addi %iota3A, %add3A_111 : vector<16xi32>
    %jit3A_113 = arith.constant 8 : i32
    %div3A_114 = vector.broadcast %jit3A_113 : i32 to vector<16xi32>
    %div3A_115 = arith.divsi %add3A_112, %div3A_114 : vector<16xi32>
    %sign3A_116 = arith.constant 0 : i32
    %sign3A_117 = vector.broadcast %sign3A_116 : i32 to vector<16xi32>
    %sign3A_118 = arith.cmpi sgt, %add3A_112, %sign3A_117 : vector<16xi32>
    %sign3A_119 = arith.extui %sign3A_118 : vector<16xi1> to vector<16xi32>
    %sign3A_120 = arith.constant 0 : i32
    %sign3A_121 = vector.broadcast %sign3A_120 : i32 to vector<16xi32>
    %sign3A_122 = arith.cmpi slt, %add3A_112, %sign3A_121 : vector<16xi32>
    %sign3A_123 = arith.extui %sign3A_122 : vector<16xi1> to vector<16xi32>
    %sign3A_124 = arith.subi %sign3A_119, %sign3A_123 : vector<16xi32>
    %sign3A_125 = arith.constant 0 : i32
    %sign3A_126 = arith.cmpi sgt, %jit3A_113, %sign3A_125 : i32
    %sign3A_127 = arith.extui %sign3A_126 : i1 to i32
    %sign3A_128 = arith.constant 0 : i32
    %sign3A_129 = arith.cmpi slt, %jit3A_113, %sign3A_128 : i32
    %sign3A_130 = arith.extui %sign3A_129 : i1 to i32
    %sign3A_131 = arith.subi %sign3A_127, %sign3A_130 : i32
    %ne3A_132 = vector.broadcast %sign3A_131 : i32 to vector<16xi32>
    %ne3A_133 = arith.cmpi ne, %sign3A_124, %ne3A_132 : vector<16xi32>
    %rem3A_134 = vector.broadcast %jit3A_113 : i32 to vector<16xi32>
    %rem3A_135 = arith.remsi %add3A_112, %rem3A_134 : vector<16xi32>
    %ne3A_136 = arith.constant 0 : i32
    %ne3A_137 = vector.broadcast %ne3A_136 : i32 to vector<16xi32>
    %ne3A_138 = arith.cmpi ne, %rem3A_135, %ne3A_137 : vector<16xi32>
    %and3A_139 = arith.andi %ne3A_133, %ne3A_138 : vector<16xi1>
    %sub3A_140 = arith.constant 1 : i32
    %sub3A_141 = vector.broadcast %sub3A_140 : i32 to vector<16xi32>
    %sub3A_142 = arith.subi %div3A_115, %sub3A_141 : vector<16xi32>
    %select_n3A_143 = arith.select %and3A_139, %sub3A_142, %div3A_115 : vector<16xi1>, vector<16xi32>
    %add3A_144 = arith.constant 64 : i32
    %add3A_145 = vector.broadcast %add3A_144 : i32 to vector<16xi32>
    %add3A_146 = arith.addi %iota3A, %add3A_145 : vector<16xi32>
    %jit3A_147 = arith.constant 8 : i32
    %div3A_148 = vector.broadcast %jit3A_147 : i32 to vector<16xi32>
    %div3A_149 = arith.divsi %add3A_146, %div3A_148 : vector<16xi32>
    %sign3A_150 = arith.constant 0 : i32
    %sign3A_151 = vector.broadcast %sign3A_150 : i32 to vector<16xi32>
    %sign3A_152 = arith.cmpi sgt, %add3A_146, %sign3A_151 : vector<16xi32>
    %sign3A_153 = arith.extui %sign3A_152 : vector<16xi1> to vector<16xi32>
    %sign3A_154 = arith.constant 0 : i32
    %sign3A_155 = vector.broadcast %sign3A_154 : i32 to vector<16xi32>
    %sign3A_156 = arith.cmpi slt, %add3A_146, %sign3A_155 : vector<16xi32>
    %sign3A_157 = arith.extui %sign3A_156 : vector<16xi1> to vector<16xi32>
    %sign3A_158 = arith.subi %sign3A_153, %sign3A_157 : vector<16xi32>
    %sign3A_159 = arith.constant 0 : i32
    %sign3A_160 = arith.cmpi sgt, %jit3A_147, %sign3A_159 : i32
    %sign3A_161 = arith.extui %sign3A_160 : i1 to i32
    %sign3A_162 = arith.constant 0 : i32
    %sign3A_163 = arith.cmpi slt, %jit3A_147, %sign3A_162 : i32
    %sign3A_164 = arith.extui %sign3A_163 : i1 to i32
    %sign3A_165 = arith.subi %sign3A_161, %sign3A_164 : i32
    %ne3A_166 = vector.broadcast %sign3A_165 : i32 to vector<16xi32>
    %ne3A_167 = arith.cmpi ne, %sign3A_158, %ne3A_166 : vector<16xi32>
    %rem3A_168 = vector.broadcast %jit3A_147 : i32 to vector<16xi32>
    %rem3A_169 = arith.remsi %add3A_146, %rem3A_168 : vector<16xi32>
    %ne3A_170 = arith.constant 0 : i32
    %ne3A_171 = vector.broadcast %ne3A_170 : i32 to vector<16xi32>
    %ne3A_172 = arith.cmpi ne, %rem3A_169, %ne3A_171 : vector<16xi32>
    %and3A_173 = arith.andi %ne3A_167, %ne3A_172 : vector<16xi1>
    %sub3A_174 = arith.constant 1 : i32
    %sub3A_175 = vector.broadcast %sub3A_174 : i32 to vector<16xi32>
    %sub3A_176 = arith.subi %div3A_149, %sub3A_175 : vector<16xi32>
    %select_n3A_177 = arith.select %and3A_173, %sub3A_176, %div3A_149 : vector<16xi1>, vector<16xi32>
    %add3A_178 = arith.constant 80 : i32
    %add3A_179 = vector.broadcast %add3A_178 : i32 to vector<16xi32>
    %add3A_180 = arith.addi %iota3A, %add3A_179 : vector<16xi32>
    %jit3A_181 = arith.constant 8 : i32
    %div3A_182 = vector.broadcast %jit3A_181 : i32 to vector<16xi32>
    %div3A_183 = arith.divsi %add3A_180, %div3A_182 : vector<16xi32>
    %sign3A_184 = arith.constant 0 : i32
    %sign3A_185 = vector.broadcast %sign3A_184 : i32 to vector<16xi32>
    %sign3A_186 = arith.cmpi sgt, %add3A_180, %sign3A_185 : vector<16xi32>
    %sign3A_187 = arith.extui %sign3A_186 : vector<16xi1> to vector<16xi32>
    %sign3A_188 = arith.constant 0 : i32
    %sign3A_189 = vector.broadcast %sign3A_188 : i32 to vector<16xi32>
    %sign3A_190 = arith.cmpi slt, %add3A_180, %sign3A_189 : vector<16xi32>
    %sign3A_191 = arith.extui %sign3A_190 : vector<16xi1> to vector<16xi32>
    %sign3A_192 = arith.subi %sign3A_187, %sign3A_191 : vector<16xi32>
    %sign3A_193 = arith.constant 0 : i32
    %sign3A_194 = arith.cmpi sgt, %jit3A_181, %sign3A_193 : i32
    %sign3A_195 = arith.extui %sign3A_194 : i1 to i32
    %sign3A_196 = arith.constant 0 : i32
    %sign3A_197 = arith.cmpi slt, %jit3A_181, %sign3A_196 : i32
    %sign3A_198 = arith.extui %sign3A_197 : i1 to i32
    %sign3A_199 = arith.subi %sign3A_195, %sign3A_198 : i32
    %ne3A_200 = vector.broadcast %sign3A_199 : i32 to vector<16xi32>
    %ne3A_201 = arith.cmpi ne, %sign3A_192, %ne3A_200 : vector<16xi32>
    %rem3A_202 = vector.broadcast %jit3A_181 : i32 to vector<16xi32>
    %rem3A_203 = arith.remsi %add3A_180, %rem3A_202 : vector<16xi32>
    %ne3A_204 = arith.constant 0 : i32
    %ne3A_205 = vector.broadcast %ne3A_204 : i32 to vector<16xi32>
    %ne3A_206 = arith.cmpi ne, %rem3A_203, %ne3A_205 : vector<16xi32>
    %and3A_207 = arith.andi %ne3A_201, %ne3A_206 : vector<16xi1>
    %sub3A_208 = arith.constant 1 : i32
    %sub3A_209 = vector.broadcast %sub3A_208 : i32 to vector<16xi32>
    %sub3A_210 = arith.subi %div3A_183, %sub3A_209 : vector<16xi32>
    %select_n3A_211 = arith.select %and3A_207, %sub3A_210, %div3A_183 : vector<16xi1>, vector<16xi32>
    %add3A_212 = arith.constant 96 : i32
    %add3A_213 = vector.broadcast %add3A_212 : i32 to vector<16xi32>
    %add3A_214 = arith.addi %iota3A, %add3A_213 : vector<16xi32>
    %jit3A_215 = arith.constant 8 : i32
    %div3A_216 = vector.broadcast %jit3A_215 : i32 to vector<16xi32>
    %div3A_217 = arith.divsi %add3A_214, %div3A_216 : vector<16xi32>
    %sign3A_218 = arith.constant 0 : i32
    %sign3A_219 = vector.broadcast %sign3A_218 : i32 to vector<16xi32>
    %sign3A_220 = arith.cmpi sgt, %add3A_214, %sign3A_219 : vector<16xi32>
    %sign3A_221 = arith.extui %sign3A_220 : vector<16xi1> to vector<16xi32>
    %sign3A_222 = arith.constant 0 : i32
    %sign3A_223 = vector.broadcast %sign3A_222 : i32 to vector<16xi32>
    %sign3A_224 = arith.cmpi slt, %add3A_214, %sign3A_223 : vector<16xi32>
    %sign3A_225 = arith.extui %sign3A_224 : vector<16xi1> to vector<16xi32>
    %sign3A_226 = arith.subi %sign3A_221, %sign3A_225 : vector<16xi32>
    %sign3A_227 = arith.constant 0 : i32
    %sign3A_228 = arith.cmpi sgt, %jit3A_215, %sign3A_227 : i32
    %sign3A_229 = arith.extui %sign3A_228 : i1 to i32
    %sign3A_230 = arith.constant 0 : i32
    %sign3A_231 = arith.cmpi slt, %jit3A_215, %sign3A_230 : i32
    %sign3A_232 = arith.extui %sign3A_231 : i1 to i32
    %sign3A_233 = arith.subi %sign3A_229, %sign3A_232 : i32
    %ne3A_234 = vector.broadcast %sign3A_233 : i32 to vector<16xi32>
    %ne3A_235 = arith.cmpi ne, %sign3A_226, %ne3A_234 : vector<16xi32>
    %rem3A_236 = vector.broadcast %jit3A_215 : i32 to vector<16xi32>
    %rem3A_237 = arith.remsi %add3A_214, %rem3A_236 : vector<16xi32>
    %ne3A_238 = arith.constant 0 : i32
    %ne3A_239 = vector.broadcast %ne3A_238 : i32 to vector<16xi32>
    %ne3A_240 = arith.cmpi ne, %rem3A_237, %ne3A_239 : vector<16xi32>
    %and3A_241 = arith.andi %ne3A_235, %ne3A_240 : vector<16xi1>
    %sub3A_242 = arith.constant 1 : i32
    %sub3A_243 = vector.broadcast %sub3A_242 : i32 to vector<16xi32>
    %sub3A_244 = arith.subi %div3A_217, %sub3A_243 : vector<16xi32>
    %select_n3A_245 = arith.select %and3A_241, %sub3A_244, %div3A_217 : vector<16xi1>, vector<16xi32>
    %add3A_246 = arith.constant 112 : i32
    %add3A_247 = vector.broadcast %add3A_246 : i32 to vector<16xi32>
    %add3A_248 = arith.addi %iota3A, %add3A_247 : vector<16xi32>
    %jit3A_249 = arith.constant 8 : i32
    %div3A_250 = vector.broadcast %jit3A_249 : i32 to vector<16xi32>
    %div3A_251 = arith.divsi %add3A_248, %div3A_250 : vector<16xi32>
    %sign3A_252 = arith.constant 0 : i32
    %sign3A_253 = vector.broadcast %sign3A_252 : i32 to vector<16xi32>
    %sign3A_254 = arith.cmpi sgt, %add3A_248, %sign3A_253 : vector<16xi32>
    %sign3A_255 = arith.extui %sign3A_254 : vector<16xi1> to vector<16xi32>
    %sign3A_256 = arith.constant 0 : i32
    %sign3A_257 = vector.broadcast %sign3A_256 : i32 to vector<16xi32>
    %sign3A_258 = arith.cmpi slt, %add3A_248, %sign3A_257 : vector<16xi32>
    %sign3A_259 = arith.extui %sign3A_258 : vector<16xi1> to vector<16xi32>
    %sign3A_260 = arith.subi %sign3A_255, %sign3A_259 : vector<16xi32>
    %sign3A_261 = arith.constant 0 : i32
    %sign3A_262 = arith.cmpi sgt, %jit3A_249, %sign3A_261 : i32
    %sign3A_263 = arith.extui %sign3A_262 : i1 to i32
    %sign3A_264 = arith.constant 0 : i32
    %sign3A_265 = arith.cmpi slt, %jit3A_249, %sign3A_264 : i32
    %sign3A_266 = arith.extui %sign3A_265 : i1 to i32
    %sign3A_267 = arith.subi %sign3A_263, %sign3A_266 : i32
    %ne3A_268 = vector.broadcast %sign3A_267 : i32 to vector<16xi32>
    %ne3A_269 = arith.cmpi ne, %sign3A_260, %ne3A_268 : vector<16xi32>
    %rem3A_270 = vector.broadcast %jit3A_249 : i32 to vector<16xi32>
    %rem3A_271 = arith.remsi %add3A_248, %rem3A_270 : vector<16xi32>
    %ne3A_272 = arith.constant 0 : i32
    %ne3A_273 = vector.broadcast %ne3A_272 : i32 to vector<16xi32>
    %ne3A_274 = arith.cmpi ne, %rem3A_271, %ne3A_273 : vector<16xi32>
    %and3A_275 = arith.andi %ne3A_269, %ne3A_274 : vector<16xi1>
    %sub3A_276 = arith.constant 1 : i32
    %sub3A_277 = vector.broadcast %sub3A_276 : i32 to vector<16xi32>
    %sub3A_278 = arith.subi %div3A_251, %sub3A_277 : vector<16xi32>
    %select_n3A_279 = arith.select %and3A_275, %sub3A_278, %div3A_251 : vector<16xi1>, vector<16xi32>
    %add3A_280 = arith.constant 0 : i32
    %add3A_281 = vector.broadcast %add3A_280 : i32 to vector<16xi32>
    %add3A_282 = arith.addi %iota3A, %add3A_281 : vector<16xi32>
    %jit3A_283 = arith.constant 8 : i32
    %eq3A = arith.constant 0 : i32
    %eq3A_284 = arith.cmpi eq, %jit3A_283, %eq3A : i32
    %jit3A_285 = arith.constant 1 : i32
    %select_n3A_286 = arith.select %eq3A_284, %jit3A_285, %jit3A_283 : i32
    %rem3A_287 = vector.broadcast %select_n3A_286 : i32 to vector<16xi32>
    %rem3A_288 = arith.remsi %add3A_282, %rem3A_287 : vector<16xi32>
    %ne3A_289 = arith.constant 0 : i32
    %ne3A_290 = vector.broadcast %ne3A_289 : i32 to vector<16xi32>
    %ne3A_291 = arith.cmpi ne, %rem3A_288, %ne3A_290 : vector<16xi32>
    %lt3A = arith.constant 0 : i32
    %lt3A_292 = vector.broadcast %lt3A : i32 to vector<16xi32>
    %lt3A_293 = arith.cmpi slt, %rem3A_288, %lt3A_292 : vector<16xi32>
    %lt3A_294 = arith.constant 0 : i32
    %lt3A_295 = arith.cmpi slt, %select_n3A_286, %lt3A_294 : i32
    %ne3A_296 = vector.broadcast %lt3A_295 : i1 to vector<16xi1>
    %ne3A_297 = vector.broadcast %ne3A_296 : vector<16xi1> to vector<16xi1>
    %ne3A_298 = arith.xori %lt3A_293, %ne3A_297 : vector<16xi1>
    %and3A_299 = arith.andi %ne3A_298, %ne3A_291 : vector<16xi1>
    %add3A_300 = vector.broadcast %select_n3A_286 : i32 to vector<16xi32>
    %add3A_301 = arith.addi %rem3A_288, %add3A_300 : vector<16xi32>
    %select_n3A_302 = arith.select %and3A_299, %add3A_301, %rem3A_288 : vector<16xi1>, vector<16xi32>
    %add3A_303 = arith.constant 16 : i32
    %add3A_304 = vector.broadcast %add3A_303 : i32 to vector<16xi32>
    %add3A_305 = arith.addi %iota3A, %add3A_304 : vector<16xi32>
    %jit3A_306 = arith.constant 8 : i32
    %eq3A_307 = arith.constant 0 : i32
    %eq3A_308 = arith.cmpi eq, %jit3A_306, %eq3A_307 : i32
    %jit3A_309 = arith.constant 1 : i32
    %select_n3A_310 = arith.select %eq3A_308, %jit3A_309, %jit3A_306 : i32
    %rem3A_311 = vector.broadcast %select_n3A_310 : i32 to vector<16xi32>
    %rem3A_312 = arith.remsi %add3A_305, %rem3A_311 : vector<16xi32>
    %ne3A_313 = arith.constant 0 : i32
    %ne3A_314 = vector.broadcast %ne3A_313 : i32 to vector<16xi32>
    %ne3A_315 = arith.cmpi ne, %rem3A_312, %ne3A_314 : vector<16xi32>
    %lt3A_316 = arith.constant 0 : i32
    %lt3A_317 = vector.broadcast %lt3A_316 : i32 to vector<16xi32>
    %lt3A_318 = arith.cmpi slt, %rem3A_312, %lt3A_317 : vector<16xi32>
    %lt3A_319 = arith.constant 0 : i32
    %lt3A_320 = arith.cmpi slt, %select_n3A_310, %lt3A_319 : i32
    %ne3A_321 = vector.broadcast %lt3A_320 : i1 to vector<16xi1>
    %ne3A_322 = vector.broadcast %ne3A_321 : vector<16xi1> to vector<16xi1>
    %ne3A_323 = arith.xori %lt3A_318, %ne3A_322 : vector<16xi1>
    %and3A_324 = arith.andi %ne3A_323, %ne3A_315 : vector<16xi1>
    %add3A_325 = vector.broadcast %select_n3A_310 : i32 to vector<16xi32>
    %add3A_326 = arith.addi %rem3A_312, %add3A_325 : vector<16xi32>
    %select_n3A_327 = arith.select %and3A_324, %add3A_326, %rem3A_312 : vector<16xi1>, vector<16xi32>
    %add3A_328 = arith.constant 32 : i32
    %add3A_329 = vector.broadcast %add3A_328 : i32 to vector<16xi32>
    %add3A_330 = arith.addi %iota3A, %add3A_329 : vector<16xi32>
    %jit3A_331 = arith.constant 8 : i32
    %eq3A_332 = arith.constant 0 : i32
    %eq3A_333 = arith.cmpi eq, %jit3A_331, %eq3A_332 : i32
    %jit3A_334 = arith.constant 1 : i32
    %select_n3A_335 = arith.select %eq3A_333, %jit3A_334, %jit3A_331 : i32
    %rem3A_336 = vector.broadcast %select_n3A_335 : i32 to vector<16xi32>
    %rem3A_337 = arith.remsi %add3A_330, %rem3A_336 : vector<16xi32>
    %ne3A_338 = arith.constant 0 : i32
    %ne3A_339 = vector.broadcast %ne3A_338 : i32 to vector<16xi32>
    %ne3A_340 = arith.cmpi ne, %rem3A_337, %ne3A_339 : vector<16xi32>
    %lt3A_341 = arith.constant 0 : i32
    %lt3A_342 = vector.broadcast %lt3A_341 : i32 to vector<16xi32>
    %lt3A_343 = arith.cmpi slt, %rem3A_337, %lt3A_342 : vector<16xi32>
    %lt3A_344 = arith.constant 0 : i32
    %lt3A_345 = arith.cmpi slt, %select_n3A_335, %lt3A_344 : i32
    %ne3A_346 = vector.broadcast %lt3A_345 : i1 to vector<16xi1>
    %ne3A_347 = vector.broadcast %ne3A_346 : vector<16xi1> to vector<16xi1>
    %ne3A_348 = arith.xori %lt3A_343, %ne3A_347 : vector<16xi1>
    %and3A_349 = arith.andi %ne3A_348, %ne3A_340 : vector<16xi1>
    %add3A_350 = vector.broadcast %select_n3A_335 : i32 to vector<16xi32>
    %add3A_351 = arith.addi %rem3A_337, %add3A_350 : vector<16xi32>
    %select_n3A_352 = arith.select %and3A_349, %add3A_351, %rem3A_337 : vector<16xi1>, vector<16xi32>
    %add3A_353 = arith.constant 48 : i32
    %add3A_354 = vector.broadcast %add3A_353 : i32 to vector<16xi32>
    %add3A_355 = arith.addi %iota3A, %add3A_354 : vector<16xi32>
    %jit3A_356 = arith.constant 8 : i32
    %eq3A_357 = arith.constant 0 : i32
    %eq3A_358 = arith.cmpi eq, %jit3A_356, %eq3A_357 : i32
    %jit3A_359 = arith.constant 1 : i32
    %select_n3A_360 = arith.select %eq3A_358, %jit3A_359, %jit3A_356 : i32
    %rem3A_361 = vector.broadcast %select_n3A_360 : i32 to vector<16xi32>
    %rem3A_362 = arith.remsi %add3A_355, %rem3A_361 : vector<16xi32>
    %ne3A_363 = arith.constant 0 : i32
    %ne3A_364 = vector.broadcast %ne3A_363 : i32 to vector<16xi32>
    %ne3A_365 = arith.cmpi ne, %rem3A_362, %ne3A_364 : vector<16xi32>
    %lt3A_366 = arith.constant 0 : i32
    %lt3A_367 = vector.broadcast %lt3A_366 : i32 to vector<16xi32>
    %lt3A_368 = arith.cmpi slt, %rem3A_362, %lt3A_367 : vector<16xi32>
    %lt3A_369 = arith.constant 0 : i32
    %lt3A_370 = arith.cmpi slt, %select_n3A_360, %lt3A_369 : i32
    %ne3A_371 = vector.broadcast %lt3A_370 : i1 to vector<16xi1>
    %ne3A_372 = vector.broadcast %ne3A_371 : vector<16xi1> to vector<16xi1>
    %ne3A_373 = arith.xori %lt3A_368, %ne3A_372 : vector<16xi1>
    %and3A_374 = arith.andi %ne3A_373, %ne3A_365 : vector<16xi1>
    %add3A_375 = vector.broadcast %select_n3A_360 : i32 to vector<16xi32>
    %add3A_376 = arith.addi %rem3A_362, %add3A_375 : vector<16xi32>
    %select_n3A_377 = arith.select %and3A_374, %add3A_376, %rem3A_362 : vector<16xi1>, vector<16xi32>
    %add3A_378 = arith.constant 64 : i32
    %add3A_379 = vector.broadcast %add3A_378 : i32 to vector<16xi32>
    %add3A_380 = arith.addi %iota3A, %add3A_379 : vector<16xi32>
    %jit3A_381 = arith.constant 8 : i32
    %eq3A_382 = arith.constant 0 : i32
    %eq3A_383 = arith.cmpi eq, %jit3A_381, %eq3A_382 : i32
    %jit3A_384 = arith.constant 1 : i32
    %select_n3A_385 = arith.select %eq3A_383, %jit3A_384, %jit3A_381 : i32
    %rem3A_386 = vector.broadcast %select_n3A_385 : i32 to vector<16xi32>
    %rem3A_387 = arith.remsi %add3A_380, %rem3A_386 : vector<16xi32>
    %ne3A_388 = arith.constant 0 : i32
    %ne3A_389 = vector.broadcast %ne3A_388 : i32 to vector<16xi32>
    %ne3A_390 = arith.cmpi ne, %rem3A_387, %ne3A_389 : vector<16xi32>
    %lt3A_391 = arith.constant 0 : i32
    %lt3A_392 = vector.broadcast %lt3A_391 : i32 to vector<16xi32>
    %lt3A_393 = arith.cmpi slt, %rem3A_387, %lt3A_392 : vector<16xi32>
    %lt3A_394 = arith.constant 0 : i32
    %lt3A_395 = arith.cmpi slt, %select_n3A_385, %lt3A_394 : i32
    %ne3A_396 = vector.broadcast %lt3A_395 : i1 to vector<16xi1>
    %ne3A_397 = vector.broadcast %ne3A_396 : vector<16xi1> to vector<16xi1>
    %ne3A_398 = arith.xori %lt3A_393, %ne3A_397 : vector<16xi1>
    %and3A_399 = arith.andi %ne3A_398, %ne3A_390 : vector<16xi1>
    %add3A_400 = vector.broadcast %select_n3A_385 : i32 to vector<16xi32>
    %add3A_401 = arith.addi %rem3A_387, %add3A_400 : vector<16xi32>
    %select_n3A_402 = arith.select %and3A_399, %add3A_401, %rem3A_387 : vector<16xi1>, vector<16xi32>
    %add3A_403 = arith.constant 80 : i32
    %add3A_404 = vector.broadcast %add3A_403 : i32 to vector<16xi32>
    %add3A_405 = arith.addi %iota3A, %add3A_404 : vector<16xi32>
    %jit3A_406 = arith.constant 8 : i32
    %eq3A_407 = arith.constant 0 : i32
    %eq3A_408 = arith.cmpi eq, %jit3A_406, %eq3A_407 : i32
    %jit3A_409 = arith.constant 1 : i32
    %select_n3A_410 = arith.select %eq3A_408, %jit3A_409, %jit3A_406 : i32
    %rem3A_411 = vector.broadcast %select_n3A_410 : i32 to vector<16xi32>
    %rem3A_412 = arith.remsi %add3A_405, %rem3A_411 : vector<16xi32>
    %ne3A_413 = arith.constant 0 : i32
    %ne3A_414 = vector.broadcast %ne3A_413 : i32 to vector<16xi32>
    %ne3A_415 = arith.cmpi ne, %rem3A_412, %ne3A_414 : vector<16xi32>
    %lt3A_416 = arith.constant 0 : i32
    %lt3A_417 = vector.broadcast %lt3A_416 : i32 to vector<16xi32>
    %lt3A_418 = arith.cmpi slt, %rem3A_412, %lt3A_417 : vector<16xi32>
    %lt3A_419 = arith.constant 0 : i32
    %lt3A_420 = arith.cmpi slt, %select_n3A_410, %lt3A_419 : i32
    %ne3A_421 = vector.broadcast %lt3A_420 : i1 to vector<16xi1>
    %ne3A_422 = vector.broadcast %ne3A_421 : vector<16xi1> to vector<16xi1>
    %ne3A_423 = arith.xori %lt3A_418, %ne3A_422 : vector<16xi1>
    %and3A_424 = arith.andi %ne3A_423, %ne3A_415 : vector<16xi1>
    %add3A_425 = vector.broadcast %select_n3A_410 : i32 to vector<16xi32>
    %add3A_426 = arith.addi %rem3A_412, %add3A_425 : vector<16xi32>
    %select_n3A_427 = arith.select %and3A_424, %add3A_426, %rem3A_412 : vector<16xi1>, vector<16xi32>
    %add3A_428 = arith.constant 96 : i32
    %add3A_429 = vector.broadcast %add3A_428 : i32 to vector<16xi32>
    %add3A_430 = arith.addi %iota3A, %add3A_429 : vector<16xi32>
    %jit3A_431 = arith.constant 8 : i32
    %eq3A_432 = arith.constant 0 : i32
    %eq3A_433 = arith.cmpi eq, %jit3A_431, %eq3A_432 : i32
    %jit3A_434 = arith.constant 1 : i32
    %select_n3A_435 = arith.select %eq3A_433, %jit3A_434, %jit3A_431 : i32
    %rem3A_436 = vector.broadcast %select_n3A_435 : i32 to vector<16xi32>
    %rem3A_437 = arith.remsi %add3A_430, %rem3A_436 : vector<16xi32>
    %ne3A_438 = arith.constant 0 : i32
    %ne3A_439 = vector.broadcast %ne3A_438 : i32 to vector<16xi32>
    %ne3A_440 = arith.cmpi ne, %rem3A_437, %ne3A_439 : vector<16xi32>
    %lt3A_441 = arith.constant 0 : i32
    %lt3A_442 = vector.broadcast %lt3A_441 : i32 to vector<16xi32>
    %lt3A_443 = arith.cmpi slt, %rem3A_437, %lt3A_442 : vector<16xi32>
    %lt3A_444 = arith.constant 0 : i32
    %lt3A_445 = arith.cmpi slt, %select_n3A_435, %lt3A_444 : i32
    %ne3A_446 = vector.broadcast %lt3A_445 : i1 to vector<16xi1>
    %ne3A_447 = vector.broadcast %ne3A_446 : vector<16xi1> to vector<16xi1>
    %ne3A_448 = arith.xori %lt3A_443, %ne3A_447 : vector<16xi1>
    %and3A_449 = arith.andi %ne3A_448, %ne3A_440 : vector<16xi1>
    %add3A_450 = vector.broadcast %select_n3A_435 : i32 to vector<16xi32>
    %add3A_451 = arith.addi %rem3A_437, %add3A_450 : vector<16xi32>
    %select_n3A_452 = arith.select %and3A_449, %add3A_451, %rem3A_437 : vector<16xi1>, vector<16xi32>
    %add3A_453 = arith.constant 112 : i32
    %add3A_454 = vector.broadcast %add3A_453 : i32 to vector<16xi32>
    %add3A_455 = arith.addi %iota3A, %add3A_454 : vector<16xi32>
    %jit3A_456 = arith.constant 8 : i32
    %eq3A_457 = arith.constant 0 : i32
    %eq3A_458 = arith.cmpi eq, %jit3A_456, %eq3A_457 : i32
    %jit3A_459 = arith.constant 1 : i32
    %select_n3A_460 = arith.select %eq3A_458, %jit3A_459, %jit3A_456 : i32
    %rem3A_461 = vector.broadcast %select_n3A_460 : i32 to vector<16xi32>
    %rem3A_462 = arith.remsi %add3A_455, %rem3A_461 : vector<16xi32>
    %ne3A_463 = arith.constant 0 : i32
    %ne3A_464 = vector.broadcast %ne3A_463 : i32 to vector<16xi32>
    %ne3A_465 = arith.cmpi ne, %rem3A_462, %ne3A_464 : vector<16xi32>
    %lt3A_466 = arith.constant 0 : i32
    %lt3A_467 = vector.broadcast %lt3A_466 : i32 to vector<16xi32>
    %lt3A_468 = arith.cmpi slt, %rem3A_462, %lt3A_467 : vector<16xi32>
    %lt3A_469 = arith.constant 0 : i32
    %lt3A_470 = arith.cmpi slt, %select_n3A_460, %lt3A_469 : i32
    %ne3A_471 = vector.broadcast %lt3A_470 : i1 to vector<16xi1>
    %ne3A_472 = vector.broadcast %ne3A_471 : vector<16xi1> to vector<16xi1>
    %ne3A_473 = arith.xori %lt3A_468, %ne3A_472 : vector<16xi1>
    %and3A_474 = arith.andi %ne3A_473, %ne3A_465 : vector<16xi1>
    %add3A_475 = vector.broadcast %select_n3A_460 : i32 to vector<16xi32>
    %add3A_476 = arith.addi %rem3A_462, %add3A_475 : vector<16xi32>
    %select_n3A_477 = arith.select %and3A_474, %add3A_476, %rem3A_462 : vector<16xi1>, vector<16xi32>
    %add3A_478 = arith.constant 128 : i32
    %add3A_479 = vector.broadcast %add3A_478 : i32 to vector<16xi32>
    %add3A_480 = arith.addi %iota3A, %add3A_479 : vector<16xi32>
    %jit3A_481 = arith.constant 8 : i32
    %div3A_482 = vector.broadcast %jit3A_481 : i32 to vector<16xi32>
    %div3A_483 = arith.divsi %add3A_480, %div3A_482 : vector<16xi32>
    %sign3A_484 = arith.constant 0 : i32
    %sign3A_485 = vector.broadcast %sign3A_484 : i32 to vector<16xi32>
    %sign3A_486 = arith.cmpi sgt, %add3A_480, %sign3A_485 : vector<16xi32>
    %sign3A_487 = arith.extui %sign3A_486 : vector<16xi1> to vector<16xi32>
    %sign3A_488 = arith.constant 0 : i32
    %sign3A_489 = vector.broadcast %sign3A_488 : i32 to vector<16xi32>
    %sign3A_490 = arith.cmpi slt, %add3A_480, %sign3A_489 : vector<16xi32>
    %sign3A_491 = arith.extui %sign3A_490 : vector<16xi1> to vector<16xi32>
    %sign3A_492 = arith.subi %sign3A_487, %sign3A_491 : vector<16xi32>
    %sign3A_493 = arith.constant 0 : i32
    %sign3A_494 = arith.cmpi sgt, %jit3A_481, %sign3A_493 : i32
    %sign3A_495 = arith.extui %sign3A_494 : i1 to i32
    %sign3A_496 = arith.constant 0 : i32
    %sign3A_497 = arith.cmpi slt, %jit3A_481, %sign3A_496 : i32
    %sign3A_498 = arith.extui %sign3A_497 : i1 to i32
    %sign3A_499 = arith.subi %sign3A_495, %sign3A_498 : i32
    %ne3A_500 = vector.broadcast %sign3A_499 : i32 to vector<16xi32>
    %ne3A_501 = arith.cmpi ne, %sign3A_492, %ne3A_500 : vector<16xi32>
    %rem3A_502 = vector.broadcast %jit3A_481 : i32 to vector<16xi32>
    %rem3A_503 = arith.remsi %add3A_480, %rem3A_502 : vector<16xi32>
    %ne3A_504 = arith.constant 0 : i32
    %ne3A_505 = vector.broadcast %ne3A_504 : i32 to vector<16xi32>
    %ne3A_506 = arith.cmpi ne, %rem3A_503, %ne3A_505 : vector<16xi32>
    %and3A_507 = arith.andi %ne3A_501, %ne3A_506 : vector<16xi1>
    %sub3A_508 = arith.constant 1 : i32
    %sub3A_509 = vector.broadcast %sub3A_508 : i32 to vector<16xi32>
    %sub3A_510 = arith.subi %div3A_483, %sub3A_509 : vector<16xi32>
    %select_n3A_511 = arith.select %and3A_507, %sub3A_510, %div3A_483 : vector<16xi1>, vector<16xi32>
    %add3A_512 = arith.constant 144 : i32
    %add3A_513 = vector.broadcast %add3A_512 : i32 to vector<16xi32>
    %add3A_514 = arith.addi %iota3A, %add3A_513 : vector<16xi32>
    %jit3A_515 = arith.constant 8 : i32
    %div3A_516 = vector.broadcast %jit3A_515 : i32 to vector<16xi32>
    %div3A_517 = arith.divsi %add3A_514, %div3A_516 : vector<16xi32>
    %sign3A_518 = arith.constant 0 : i32
    %sign3A_519 = vector.broadcast %sign3A_518 : i32 to vector<16xi32>
    %sign3A_520 = arith.cmpi sgt, %add3A_514, %sign3A_519 : vector<16xi32>
    %sign3A_521 = arith.extui %sign3A_520 : vector<16xi1> to vector<16xi32>
    %sign3A_522 = arith.constant 0 : i32
    %sign3A_523 = vector.broadcast %sign3A_522 : i32 to vector<16xi32>
    %sign3A_524 = arith.cmpi slt, %add3A_514, %sign3A_523 : vector<16xi32>
    %sign3A_525 = arith.extui %sign3A_524 : vector<16xi1> to vector<16xi32>
    %sign3A_526 = arith.subi %sign3A_521, %sign3A_525 : vector<16xi32>
    %sign3A_527 = arith.constant 0 : i32
    %sign3A_528 = arith.cmpi sgt, %jit3A_515, %sign3A_527 : i32
    %sign3A_529 = arith.extui %sign3A_528 : i1 to i32
    %sign3A_530 = arith.constant 0 : i32
    %sign3A_531 = arith.cmpi slt, %jit3A_515, %sign3A_530 : i32
    %sign3A_532 = arith.extui %sign3A_531 : i1 to i32
    %sign3A_533 = arith.subi %sign3A_529, %sign3A_532 : i32
    %ne3A_534 = vector.broadcast %sign3A_533 : i32 to vector<16xi32>
    %ne3A_535 = arith.cmpi ne, %sign3A_526, %ne3A_534 : vector<16xi32>
    %rem3A_536 = vector.broadcast %jit3A_515 : i32 to vector<16xi32>
    %rem3A_537 = arith.remsi %add3A_514, %rem3A_536 : vector<16xi32>
    %ne3A_538 = arith.constant 0 : i32
    %ne3A_539 = vector.broadcast %ne3A_538 : i32 to vector<16xi32>
    %ne3A_540 = arith.cmpi ne, %rem3A_537, %ne3A_539 : vector<16xi32>
    %and3A_541 = arith.andi %ne3A_535, %ne3A_540 : vector<16xi1>
    %sub3A_542 = arith.constant 1 : i32
    %sub3A_543 = vector.broadcast %sub3A_542 : i32 to vector<16xi32>
    %sub3A_544 = arith.subi %div3A_517, %sub3A_543 : vector<16xi32>
    %select_n3A_545 = arith.select %and3A_541, %sub3A_544, %div3A_517 : vector<16xi1>, vector<16xi32>
    %add3A_546 = arith.constant 160 : i32
    %add3A_547 = vector.broadcast %add3A_546 : i32 to vector<16xi32>
    %add3A_548 = arith.addi %iota3A, %add3A_547 : vector<16xi32>
    %jit3A_549 = arith.constant 8 : i32
    %div3A_550 = vector.broadcast %jit3A_549 : i32 to vector<16xi32>
    %div3A_551 = arith.divsi %add3A_548, %div3A_550 : vector<16xi32>
    %sign3A_552 = arith.constant 0 : i32
    %sign3A_553 = vector.broadcast %sign3A_552 : i32 to vector<16xi32>
    %sign3A_554 = arith.cmpi sgt, %add3A_548, %sign3A_553 : vector<16xi32>
    %sign3A_555 = arith.extui %sign3A_554 : vector<16xi1> to vector<16xi32>
    %sign3A_556 = arith.constant 0 : i32
    %sign3A_557 = vector.broadcast %sign3A_556 : i32 to vector<16xi32>
    %sign3A_558 = arith.cmpi slt, %add3A_548, %sign3A_557 : vector<16xi32>
    %sign3A_559 = arith.extui %sign3A_558 : vector<16xi1> to vector<16xi32>
    %sign3A_560 = arith.subi %sign3A_555, %sign3A_559 : vector<16xi32>
    %sign3A_561 = arith.constant 0 : i32
    %sign3A_562 = arith.cmpi sgt, %jit3A_549, %sign3A_561 : i32
    %sign3A_563 = arith.extui %sign3A_562 : i1 to i32
    %sign3A_564 = arith.constant 0 : i32
    %sign3A_565 = arith.cmpi slt, %jit3A_549, %sign3A_564 : i32
    %sign3A_566 = arith.extui %sign3A_565 : i1 to i32
    %sign3A_567 = arith.subi %sign3A_563, %sign3A_566 : i32
    %ne3A_568 = vector.broadcast %sign3A_567 : i32 to vector<16xi32>
    %ne3A_569 = arith.cmpi ne, %sign3A_560, %ne3A_568 : vector<16xi32>
    %rem3A_570 = vector.broadcast %jit3A_549 : i32 to vector<16xi32>
    %rem3A_571 = arith.remsi %add3A_548, %rem3A_570 : vector<16xi32>
    %ne3A_572 = arith.constant 0 : i32
    %ne3A_573 = vector.broadcast %ne3A_572 : i32 to vector<16xi32>
    %ne3A_574 = arith.cmpi ne, %rem3A_571, %ne3A_573 : vector<16xi32>
    %and3A_575 = arith.andi %ne3A_569, %ne3A_574 : vector<16xi1>
    %sub3A_576 = arith.constant 1 : i32
    %sub3A_577 = vector.broadcast %sub3A_576 : i32 to vector<16xi32>
    %sub3A_578 = arith.subi %div3A_551, %sub3A_577 : vector<16xi32>
    %select_n3A_579 = arith.select %and3A_575, %sub3A_578, %div3A_551 : vector<16xi1>, vector<16xi32>
    %add3A_580 = arith.constant 176 : i32
    %add3A_581 = vector.broadcast %add3A_580 : i32 to vector<16xi32>
    %add3A_582 = arith.addi %iota3A, %add3A_581 : vector<16xi32>
    %jit3A_583 = arith.constant 8 : i32
    %div3A_584 = vector.broadcast %jit3A_583 : i32 to vector<16xi32>
    %div3A_585 = arith.divsi %add3A_582, %div3A_584 : vector<16xi32>
    %sign3A_586 = arith.constant 0 : i32
    %sign3A_587 = vector.broadcast %sign3A_586 : i32 to vector<16xi32>
    %sign3A_588 = arith.cmpi sgt, %add3A_582, %sign3A_587 : vector<16xi32>
    %sign3A_589 = arith.extui %sign3A_588 : vector<16xi1> to vector<16xi32>
    %sign3A_590 = arith.constant 0 : i32
    %sign3A_591 = vector.broadcast %sign3A_590 : i32 to vector<16xi32>
    %sign3A_592 = arith.cmpi slt, %add3A_582, %sign3A_591 : vector<16xi32>
    %sign3A_593 = arith.extui %sign3A_592 : vector<16xi1> to vector<16xi32>
    %sign3A_594 = arith.subi %sign3A_589, %sign3A_593 : vector<16xi32>
    %sign3A_595 = arith.constant 0 : i32
    %sign3A_596 = arith.cmpi sgt, %jit3A_583, %sign3A_595 : i32
    %sign3A_597 = arith.extui %sign3A_596 : i1 to i32
    %sign3A_598 = arith.constant 0 : i32
    %sign3A_599 = arith.cmpi slt, %jit3A_583, %sign3A_598 : i32
    %sign3A_600 = arith.extui %sign3A_599 : i1 to i32
    %sign3A_601 = arith.subi %sign3A_597, %sign3A_600 : i32
    %ne3A_602 = vector.broadcast %sign3A_601 : i32 to vector<16xi32>
    %ne3A_603 = arith.cmpi ne, %sign3A_594, %ne3A_602 : vector<16xi32>
    %rem3A_604 = vector.broadcast %jit3A_583 : i32 to vector<16xi32>
    %rem3A_605 = arith.remsi %add3A_582, %rem3A_604 : vector<16xi32>
    %ne3A_606 = arith.constant 0 : i32
    %ne3A_607 = vector.broadcast %ne3A_606 : i32 to vector<16xi32>
    %ne3A_608 = arith.cmpi ne, %rem3A_605, %ne3A_607 : vector<16xi32>
    %and3A_609 = arith.andi %ne3A_603, %ne3A_608 : vector<16xi1>
    %sub3A_610 = arith.constant 1 : i32
    %sub3A_611 = vector.broadcast %sub3A_610 : i32 to vector<16xi32>
    %sub3A_612 = arith.subi %div3A_585, %sub3A_611 : vector<16xi32>
    %select_n3A_613 = arith.select %and3A_609, %sub3A_612, %div3A_585 : vector<16xi1>, vector<16xi32>
    %add3A_614 = arith.constant 0 : i32
    %add3A_615 = vector.broadcast %add3A_614 : i32 to vector<16xi32>
    %add3A_616 = arith.addi %iota3A, %add3A_615 : vector<16xi32>
    %jit3A_617 = arith.constant 8 : i32
    %eq3A_618 = arith.constant 0 : i32
    %eq3A_619 = arith.cmpi eq, %jit3A_617, %eq3A_618 : i32
    %jit3A_620 = arith.constant 1 : i32
    %select_n3A_621 = arith.select %eq3A_619, %jit3A_620, %jit3A_617 : i32
    %rem3A_622 = vector.broadcast %select_n3A_621 : i32 to vector<16xi32>
    %rem3A_623 = arith.remsi %add3A_616, %rem3A_622 : vector<16xi32>
    %ne3A_624 = arith.constant 0 : i32
    %ne3A_625 = vector.broadcast %ne3A_624 : i32 to vector<16xi32>
    %ne3A_626 = arith.cmpi ne, %rem3A_623, %ne3A_625 : vector<16xi32>
    %lt3A_627 = arith.constant 0 : i32
    %lt3A_628 = vector.broadcast %lt3A_627 : i32 to vector<16xi32>
    %lt3A_629 = arith.cmpi slt, %rem3A_623, %lt3A_628 : vector<16xi32>
    %lt3A_630 = arith.constant 0 : i32
    %lt3A_631 = arith.cmpi slt, %select_n3A_621, %lt3A_630 : i32
    %ne3A_632 = vector.broadcast %lt3A_631 : i1 to vector<16xi1>
    %ne3A_633 = vector.broadcast %ne3A_632 : vector<16xi1> to vector<16xi1>
    %ne3A_634 = arith.xori %lt3A_629, %ne3A_633 : vector<16xi1>
    %and3A_635 = arith.andi %ne3A_634, %ne3A_626 : vector<16xi1>
    %add3A_636 = vector.broadcast %select_n3A_621 : i32 to vector<16xi32>
    %add3A_637 = arith.addi %rem3A_623, %add3A_636 : vector<16xi32>
    %select_n3A_638 = arith.select %and3A_635, %add3A_637, %rem3A_623 : vector<16xi1>, vector<16xi32>
    %add3A_639 = arith.constant 16 : i32
    %add3A_640 = vector.broadcast %add3A_639 : i32 to vector<16xi32>
    %add3A_641 = arith.addi %iota3A, %add3A_640 : vector<16xi32>
    %jit3A_642 = arith.constant 8 : i32
    %eq3A_643 = arith.constant 0 : i32
    %eq3A_644 = arith.cmpi eq, %jit3A_642, %eq3A_643 : i32
    %jit3A_645 = arith.constant 1 : i32
    %select_n3A_646 = arith.select %eq3A_644, %jit3A_645, %jit3A_642 : i32
    %rem3A_647 = vector.broadcast %select_n3A_646 : i32 to vector<16xi32>
    %rem3A_648 = arith.remsi %add3A_641, %rem3A_647 : vector<16xi32>
    %ne3A_649 = arith.constant 0 : i32
    %ne3A_650 = vector.broadcast %ne3A_649 : i32 to vector<16xi32>
    %ne3A_651 = arith.cmpi ne, %rem3A_648, %ne3A_650 : vector<16xi32>
    %lt3A_652 = arith.constant 0 : i32
    %lt3A_653 = vector.broadcast %lt3A_652 : i32 to vector<16xi32>
    %lt3A_654 = arith.cmpi slt, %rem3A_648, %lt3A_653 : vector<16xi32>
    %lt3A_655 = arith.constant 0 : i32
    %lt3A_656 = arith.cmpi slt, %select_n3A_646, %lt3A_655 : i32
    %ne3A_657 = vector.broadcast %lt3A_656 : i1 to vector<16xi1>
    %ne3A_658 = vector.broadcast %ne3A_657 : vector<16xi1> to vector<16xi1>
    %ne3A_659 = arith.xori %lt3A_654, %ne3A_658 : vector<16xi1>
    %and3A_660 = arith.andi %ne3A_659, %ne3A_651 : vector<16xi1>
    %add3A_661 = vector.broadcast %select_n3A_646 : i32 to vector<16xi32>
    %add3A_662 = arith.addi %rem3A_648, %add3A_661 : vector<16xi32>
    %select_n3A_663 = arith.select %and3A_660, %add3A_662, %rem3A_648 : vector<16xi1>, vector<16xi32>
    %add3A_664 = arith.constant 32 : i32
    %add3A_665 = vector.broadcast %add3A_664 : i32 to vector<16xi32>
    %add3A_666 = arith.addi %iota3A, %add3A_665 : vector<16xi32>
    %jit3A_667 = arith.constant 8 : i32
    %eq3A_668 = arith.constant 0 : i32
    %eq3A_669 = arith.cmpi eq, %jit3A_667, %eq3A_668 : i32
    %jit3A_670 = arith.constant 1 : i32
    %select_n3A_671 = arith.select %eq3A_669, %jit3A_670, %jit3A_667 : i32
    %rem3A_672 = vector.broadcast %select_n3A_671 : i32 to vector<16xi32>
    %rem3A_673 = arith.remsi %add3A_666, %rem3A_672 : vector<16xi32>
    %ne3A_674 = arith.constant 0 : i32
    %ne3A_675 = vector.broadcast %ne3A_674 : i32 to vector<16xi32>
    %ne3A_676 = arith.cmpi ne, %rem3A_673, %ne3A_675 : vector<16xi32>
    %lt3A_677 = arith.constant 0 : i32
    %lt3A_678 = vector.broadcast %lt3A_677 : i32 to vector<16xi32>
    %lt3A_679 = arith.cmpi slt, %rem3A_673, %lt3A_678 : vector<16xi32>
    %lt3A_680 = arith.constant 0 : i32
    %lt3A_681 = arith.cmpi slt, %select_n3A_671, %lt3A_680 : i32
    %ne3A_682 = vector.broadcast %lt3A_681 : i1 to vector<16xi1>
    %ne3A_683 = vector.broadcast %ne3A_682 : vector<16xi1> to vector<16xi1>
    %ne3A_684 = arith.xori %lt3A_679, %ne3A_683 : vector<16xi1>
    %and3A_685 = arith.andi %ne3A_684, %ne3A_676 : vector<16xi1>
    %add3A_686 = vector.broadcast %select_n3A_671 : i32 to vector<16xi32>
    %add3A_687 = arith.addi %rem3A_673, %add3A_686 : vector<16xi32>
    %select_n3A_688 = arith.select %and3A_685, %add3A_687, %rem3A_673 : vector<16xi1>, vector<16xi32>
    %add3A_689 = arith.constant 48 : i32
    %add3A_690 = vector.broadcast %add3A_689 : i32 to vector<16xi32>
    %add3A_691 = arith.addi %iota3A, %add3A_690 : vector<16xi32>
    %jit3A_692 = arith.constant 8 : i32
    %eq3A_693 = arith.constant 0 : i32
    %eq3A_694 = arith.cmpi eq, %jit3A_692, %eq3A_693 : i32
    %jit3A_695 = arith.constant 1 : i32
    %select_n3A_696 = arith.select %eq3A_694, %jit3A_695, %jit3A_692 : i32
    %rem3A_697 = vector.broadcast %select_n3A_696 : i32 to vector<16xi32>
    %rem3A_698 = arith.remsi %add3A_691, %rem3A_697 : vector<16xi32>
    %ne3A_699 = arith.constant 0 : i32
    %ne3A_700 = vector.broadcast %ne3A_699 : i32 to vector<16xi32>
    %ne3A_701 = arith.cmpi ne, %rem3A_698, %ne3A_700 : vector<16xi32>
    %lt3A_702 = arith.constant 0 : i32
    %lt3A_703 = vector.broadcast %lt3A_702 : i32 to vector<16xi32>
    %lt3A_704 = arith.cmpi slt, %rem3A_698, %lt3A_703 : vector<16xi32>
    %lt3A_705 = arith.constant 0 : i32
    %lt3A_706 = arith.cmpi slt, %select_n3A_696, %lt3A_705 : i32
    %ne3A_707 = vector.broadcast %lt3A_706 : i1 to vector<16xi1>
    %ne3A_708 = vector.broadcast %ne3A_707 : vector<16xi1> to vector<16xi1>
    %ne3A_709 = arith.xori %lt3A_704, %ne3A_708 : vector<16xi1>
    %and3A_710 = arith.andi %ne3A_709, %ne3A_701 : vector<16xi1>
    %add3A_711 = vector.broadcast %select_n3A_696 : i32 to vector<16xi32>
    %add3A_712 = arith.addi %rem3A_698, %add3A_711 : vector<16xi32>
    %select_n3A_713 = arith.select %and3A_710, %add3A_712, %rem3A_698 : vector<16xi1>, vector<16xi32>
    %dma_wait3A_714 = arith.constant 0 : i32
    %dma_wait3A_715 = arith.constant 0 : i32
    %dma_wait3A_716 = tpu.memref_slice %arg4[%dma_wait3A_714, %dma_wait3A_715] : memref<100000x128xf32, #tpu.memory_space<hbm>> -> memref<100000x128xf32, #tpu.memory_space<hbm>>
    tpu.wait_indirect_dma semaphore(%arg13 : memref<!tpu.dma_semaphore, #tpu.memory_space<semaphore_mem>>) src(%dma_wait3A_716 : memref<100000x128xf32, #tpu.memory_space<hbm>>) dst(%arg9 : memref<128x128xf32, #tpu.memory_space<vmem>>)
    %dma_wait3A_717 = arith.constant 0 : i32
    %dma_wait3A_718 = arith.constant 0 : i32
    %dma_wait3A_719 = tpu.memref_slice %arg5[%dma_wait3A_717, %dma_wait3A_718] : memref<1000x64xf32, #tpu.memory_space<hbm>> -> memref<1000x64xf32, #tpu.memory_space<hbm>>
    tpu.wait_indirect_dma semaphore(%arg14 : memref<!tpu.dma_semaphore, #tpu.memory_space<semaphore_mem>>) src(%dma_wait3A_719 : memref<1000x64xf32, #tpu.memory_space<hbm>>) dst(%arg10 : memref<128x64xf32, #tpu.memory_space<vmem>>)
    %parallel_loop3A = arith.constant 0 : i32
    %parallel_loop3A_720 = arith.constant 128 : i32
    %parallel_loop3A_721 = arith.constant 1 : i32
    scf.for %parallel_loop3A_722 = %parallel_loop3A to %parallel_loop3A_720 step %parallel_loop3A_721  : i32 {
      %parallel_loop3A_723 = vector.broadcast %parallel_loop3A_722 : i32 to vector<16xi32>
      %parallel_loop3A_724 = arith.index_cast %parallel_loop3A_722 : i32 to index
      %parallel_loop3A_725 = arith.constant 0 : index
      %parallel_loop3A_726 = tpu.vector_load %arg9[%parallel_loop3A_724, %parallel_loop3A_725] {strides = array<i32>} : memref<128x128xf32, #tpu.memory_space<vmem>>, vector<16xf32>,
      tpu.vector_store_idx %arg11[%select_n3A, %broadcast_in_dim3A_15, %select_n3A_302, %parallel_loop3A_723], %parallel_loop3A_726 : memref<24x1x8x129xf32, #tpu.memory_space<vmem>>[vector<16xi32>, vector<16xi32>, vector<16xi32>, vector<16xi32>], vector<16xf32>,
      %parallel_loop3A_727 = arith.index_cast %parallel_loop3A_722 : i32 to index
      %parallel_loop3A_728 = arith.constant 16 : index
      %parallel_loop3A_729 = tpu.vector_load %arg9[%parallel_loop3A_727, %parallel_loop3A_728] {strides = array<i32>} : memref<128x128xf32, #tpu.memory_space<vmem>>, vector<16xf32>,
      tpu.vector_store_idx %arg11[%select_n3A_75, %broadcast_in_dim3A_15, %select_n3A_327, %parallel_loop3A_723], %parallel_loop3A_729 : memref<24x1x8x129xf32, #tpu.memory_space<vmem>>[vector<16xi32>, vector<16xi32>, vector<16xi32>, vector<16xi32>], vector<16xf32>,
      %parallel_loop3A_730 = arith.index_cast %parallel_loop3A_722 : i32 to index
      %parallel_loop3A_731 = arith.constant 32 : index
      %parallel_loop3A_732 = tpu.vector_load %arg9[%parallel_loop3A_730, %parallel_loop3A_731] {strides = array<i32>} : memref<128x128xf32, #tpu.memory_space<vmem>>, vector<16xf32>,
      tpu.vector_store_idx %arg11[%select_n3A_109, %broadcast_in_dim3A_15, %select_n3A_352, %parallel_loop3A_723], %parallel_loop3A_732 : memref<24x1x8x129xf32, #tpu.memory_space<vmem>>[vector<16xi32>, vector<16xi32>, vector<16xi32>, vector<16xi32>], vector<16xf32>,
      %parallel_loop3A_733 = arith.index_cast %parallel_loop3A_722 : i32 to index
      %parallel_loop3A_734 = arith.constant 48 : index
      %parallel_loop3A_735 = tpu.vector_load %arg9[%parallel_loop3A_733, %parallel_loop3A_734] {strides = array<i32>} : memref<128x128xf32, #tpu.memory_space<vmem>>, vector<16xf32>,
      tpu.vector_store_idx %arg11[%select_n3A_143, %broadcast_in_dim3A_15, %select_n3A_377, %parallel_loop3A_723], %parallel_loop3A_735 : memref<24x1x8x129xf32, #tpu.memory_space<vmem>>[vector<16xi32>, vector<16xi32>, vector<16xi32>, vector<16xi32>], vector<16xf32>,
      %parallel_loop3A_736 = arith.index_cast %parallel_loop3A_722 : i32 to index
      %parallel_loop3A_737 = arith.constant 64 : index
      %parallel_loop3A_738 = tpu.vector_load %arg9[%parallel_loop3A_736, %parallel_loop3A_737] {strides = array<i32>} : memref<128x128xf32, #tpu.memory_space<vmem>>, vector<16xf32>,
      tpu.vector_store_idx %arg11[%select_n3A_177, %broadcast_in_dim3A_15, %select_n3A_402, %parallel_loop3A_723], %parallel_loop3A_738 : memref<24x1x8x129xf32, #tpu.memory_space<vmem>>[vector<16xi32>, vector<16xi32>, vector<16xi32>, vector<16xi32>], vector<16xf32>,
      %parallel_loop3A_739 = arith.index_cast %parallel_loop3A_722 : i32 to index
      %parallel_loop3A_740 = arith.constant 80 : index
      %parallel_loop3A_741 = tpu.vector_load %arg9[%parallel_loop3A_739, %parallel_loop3A_740] {strides = array<i32>} : memref<128x128xf32, #tpu.memory_space<vmem>>, vector<16xf32>,
      tpu.vector_store_idx %arg11[%select_n3A_211, %broadcast_in_dim3A_15, %select_n3A_427, %parallel_loop3A_723], %parallel_loop3A_741 : memref<24x1x8x129xf32, #tpu.memory_space<vmem>>[vector<16xi32>, vector<16xi32>, vector<16xi32>, vector<16xi32>], vector<16xf32>,
      %parallel_loop3A_742 = arith.index_cast %parallel_loop3A_722 : i32 to index
      %parallel_loop3A_743 = arith.constant 96 : index
      %parallel_loop3A_744 = tpu.vector_load %arg9[%parallel_loop3A_742, %parallel_loop3A_743] {strides = array<i32>} : memref<128x128xf32, #tpu.memory_space<vmem>>, vector<16xf32>,
      tpu.vector_store_idx %arg11[%select_n3A_245, %broadcast_in_dim3A_15, %select_n3A_452, %parallel_loop3A_723], %parallel_loop3A_744 : memref<24x1x8x129xf32, #tpu.memory_space<vmem>>[vector<16xi32>, vector<16xi32>, vector<16xi32>, vector<16xi32>], vector<16xf32>,
      %parallel_loop3A_745 = arith.index_cast %parallel_loop3A_722 : i32 to index
      %parallel_loop3A_746 = arith.constant 112 : index
      %parallel_loop3A_747 = tpu.vector_load %arg9[%parallel_loop3A_745, %parallel_loop3A_746] {strides = array<i32>} : memref<128x128xf32, #tpu.memory_space<vmem>>, vector<16xf32>,
      tpu.vector_store_idx %arg11[%select_n3A_279, %broadcast_in_dim3A_15, %select_n3A_477, %parallel_loop3A_723], %parallel_loop3A_747 : memref<24x1x8x129xf32, #tpu.memory_space<vmem>>[vector<16xi32>, vector<16xi32>, vector<16xi32>, vector<16xi32>], vector<16xf32>,
      %parallel_loop3A_748 = arith.index_cast %parallel_loop3A_722 : i32 to index
      %parallel_loop3A_749 = arith.constant 0 : index
      %parallel_loop3A_750 = tpu.vector_load %arg10[%parallel_loop3A_748, %parallel_loop3A_749] {strides = array<i32>} : memref<128x64xf32, #tpu.memory_space<vmem>>, vector<16xf32>,
      tpu.vector_store_idx %arg11[%select_n3A_511, %broadcast_in_dim3A_15, %select_n3A_638, %parallel_loop3A_723], %parallel_loop3A_750 : memref<24x1x8x129xf32, #tpu.memory_space<vmem>>[vector<16xi32>, vector<16xi32>, vector<16xi32>, vector<16xi32>], vector<16xf32>,
      %parallel_loop3A_751 = arith.index_cast %parallel_loop3A_722 : i32 to index
      %parallel_loop3A_752 = arith.constant 16 : index
      %parallel_loop3A_753 = tpu.vector_load %arg10[%parallel_loop3A_751, %parallel_loop3A_752] {strides = array<i32>} : memref<128x64xf32, #tpu.memory_space<vmem>>, vector<16xf32>,
      tpu.vector_store_idx %arg11[%select_n3A_545, %broadcast_in_dim3A_15, %select_n3A_663, %parallel_loop3A_723], %parallel_loop3A_753 : memref<24x1x8x129xf32, #tpu.memory_space<vmem>>[vector<16xi32>, vector<16xi32>, vector<16xi32>, vector<16xi32>], vector<16xf32>,
      %parallel_loop3A_754 = arith.index_cast %parallel_loop3A_722 : i32 to index
      %parallel_loop3A_755 = arith.constant 32 : index
      %parallel_loop3A_756 = tpu.vector_load %arg10[%parallel_loop3A_754, %parallel_loop3A_755] {strides = array<i32>} : memref<128x64xf32, #tpu.memory_space<vmem>>, vector<16xf32>,
      tpu.vector_store_idx %arg11[%select_n3A_579, %broadcast_in_dim3A_15, %select_n3A_688, %parallel_loop3A_723], %parallel_loop3A_756 : memref<24x1x8x129xf32, #tpu.memory_space<vmem>>[vector<16xi32>, vector<16xi32>, vector<16xi32>, vector<16xi32>], vector<16xf32>,
      %parallel_loop3A_757 = arith.index_cast %parallel_loop3A_722 : i32 to index
      %parallel_loop3A_758 = arith.constant 48 : index
      %parallel_loop3A_759 = tpu.vector_load %arg10[%parallel_loop3A_757, %parallel_loop3A_758] {strides = array<i32>} : memref<128x64xf32, #tpu.memory_space<vmem>>, vector<16xf32>,
      tpu.vector_store_idx %arg11[%select_n3A_613, %broadcast_in_dim3A_15, %select_n3A_713, %parallel_loop3A_723], %parallel_loop3A_759 : memref<24x1x8x129xf32, #tpu.memory_space<vmem>>[vector<16xi32>, vector<16xi32>, vector<16xi32>, vector<16xi32>], vector<16xf32>,
    } {sc.loop_unroll_factor = 1 : i64, sc.parallel_access}
    "tpu.region"() ({
      %run_scoped3A = tpu.sem_alloc : memref<!tpu.dma_semaphore, #tpu.memory_space<semaphore_mem>>
      %dma_start3A_722 = arith.constant 0 : i32
      %dma_start3A_723 = arith.constant 0 : i32
      %dma_start3A_724 = arith.constant 0 : i32
      %dma_start3A_725 = arith.constant 0 : i32
      %dma_start3A_726 = tpu.memref_slice %arg11[%dma_start3A_722, %dma_start3A_723, %dma_start3A_724, %dma_start3A_725] : memref<24x1x8x129xf32, #tpu.memory_space<vmem>> -> memref<24x1x8x128xf32, #tpu.memory_space<vmem>>
      %dma_start3A_727 = arith.constant 0 : i32
      %dma_start3A_728 = arith.constant 0 : i32
      %dma_start3A_729 = arith.constant 0 : i32
      %dma_start3A_730 = tpu.memref_slice %arg6[%dma_start3A_727, %add3A, %dma_start3A_728, %dma_start3A_729] : memref<24x32x8x128xf32, #tpu.memory_space<hbm>> -> memref<24x1x8x128xf32, #tpu.memory_space<hbm>>
      %dma_start3A_731 = arith.constant 0 : i32
      %dma_start3A_732 = arith.constant 0 : i32
      %dma_start3A_733 = arith.constant 0 : i32
      %dma_start3A_734 = tpu.memref_slice %arg6[%dma_start3A_731, %add3A, %dma_start3A_732, %dma_start3A_733] : memref<24x32x8x128xf32, #tpu.memory_space<hbm>> -> memref<24x1x8x128xf32, #tpu.memory_space<hbm>>
      %dma_start3A_735 = arith.constant 0 : i32
      %dma_start3A_736 = arith.constant 0 : i32
      %dma_start3A_737 = arith.constant 0 : i32
      %dma_start3A_738 = arith.constant 0 : i32
      %dma_start3A_739 = tpu.memref_slice %arg11[%dma_start3A_735, %dma_start3A_736, %dma_start3A_737, %dma_start3A_738] : memref<24x1x8x129xf32, #tpu.memory_space<vmem>> -> memref<24x1x8x128xf32, #tpu.memory_space<vmem>>
      tpu.enqueue_dma source(%dma_start3A_739 : memref<24x1x8x128xf32, #tpu.memory_space<vmem>>) target(%dma_start3A_734 : memref<24x1x8x128xf32, #tpu.memory_space<hbm>>) target_semaphore(%run_scoped3A : memref<!tpu.dma_semaphore, #tpu.memory_space<semaphore_mem>>)
      %dma_wait3A_740 = arith.constant 0 : i32
      %dma_wait3A_741 = arith.constant 0 : i32
      %dma_wait3A_742 = arith.constant 0 : i32
      %dma_wait3A_743 = arith.constant 0 : i32
      %dma_wait3A_744 = tpu.memref_slice %arg11[%dma_wait3A_740, %dma_wait3A_741, %dma_wait3A_742, %dma_wait3A_743] : memref<24x1x8x129xf32, #tpu.memory_space<vmem>> -> memref<24x1x8x128xf32, #tpu.memory_space<vmem>>
      %dma_wait3A_745 = arith.constant 0 : i32
      %dma_wait3A_746 = arith.constant 0 : i32
      %dma_wait3A_747 = arith.constant 0 : i32
      %dma_wait3A_748 = tpu.memref_slice %arg6[%dma_wait3A_745, %add3A, %dma_wait3A_746, %dma_wait3A_747] : memref<24x32x8x128xf32, #tpu.memory_space<hbm>> -> memref<24x1x8x128xf32, #tpu.memory_space<hbm>>
      %dma_wait3A_749 = arith.constant 0 : i32
      %dma_wait3A_750 = arith.constant 0 : i32
      %dma_wait3A_751 = arith.constant 0 : i32
      %dma_wait3A_752 = tpu.memref_slice %arg6[%dma_wait3A_749, %add3A, %dma_wait3A_750, %dma_wait3A_751] : memref<24x32x8x128xf32, #tpu.memory_space<hbm>> -> memref<24x1x8x128xf32, #tpu.memory_space<hbm>>
      %dma_wait3A_753 = arith.constant 0 : i32
      %dma_wait3A_754 = arith.constant 0 : i32
      %dma_wait3A_755 = arith.constant 0 : i32
      %dma_wait3A_756 = arith.constant 0 : i32
      %dma_wait3A_757 = tpu.memref_slice %arg11[%dma_wait3A_753, %dma_wait3A_754, %dma_wait3A_755, %dma_wait3A_756] : memref<24x1x8x129xf32, #tpu.memory_space<vmem>> -> memref<24x1x8x128xf32, #tpu.memory_space<vmem>>
      tpu.wait_dma2 semaphore(%run_scoped3A : memref<!tpu.dma_semaphore, #tpu.memory_space<semaphore_mem>>) src(%dma_wait3A_757 : memref<24x1x8x128xf32, #tpu.memory_space<vmem>>) dst(%dma_wait3A_752 : memref<24x1x8x128xf32, #tpu.memory_space<hbm>>)
      tpu.yield
    }) : () -> ()
    return
  }
}

</mosaic_0001>

<sc_bundles>
// kernel: kernel.3.cloned.1.call-start
scs
__scs_entry_jumppad:
0x0: {  	(pc) =	sbr.rel $0x88, $3  }
0x1: {  	(tag) =	ssettag $0x0;
	lr =	simm.s32 $0x1  }
0x2: {  	[smem:$0x3F9D] =	sst lr;
	_ =	strace $0xD0000000  }
0x3: {  	_ = 	snop  }
0x4: {  	_ = 	snop  }
0x5: {  	_ = 	snop  }
0x6: {  	_ = 	snop  }
0x7: {  	_ = 	snop  }
__scs_overlays_trampoline_lowered:
0x8: {  	[smem:$0x3FAC] =	sst s0  }
0x9: {  	[smem:$0x3FAD] =	sst s1  }
0xa: {  	[smem:$0x3FAE] =	sst s2  }
0xb: {  	[smem:$0x3FAF] =	sst s3  }
0xc: {  	[smem:$0x3FB0] =	sst s4  }
0xd: {  	[smem:$0x3FB1] =	sst s5  }
0xe: {  	[smem:$0x3FB2] =	sst s6  }
0xf: {  	[smem:$0x3FB3] =	sst s7  }
0x10: {  	[smem:$0x3FB4] =	sst s8  }
0x11: {  	[smem:$0x3FB5] =	sst s9;
	s0 =	simm.s32 @!p0 $0x0  }
0x12: {  	s1 =	sld [smem:$0x3F9B];
	s0 =	simm.s32 @p0 $0x1  }
0x13: {  	[smem:$0x3FB6] =	sst s0;
	s0 =	simm.s32 @!p1 $0x0  }
0x14: {  	s2 =	sld [smem:$0x3F9A];
	s0 =	simm.s32 @p1 $0x1  }
0x15: {  	[smem:$0x3FB7] =	sst s0;
	s0 =	simm.s32 @!p2 $0x0  }
0x16: {  	s3 =	sld [smem:$0x3FDB];
	s0 =	simm.s32 @p2 $0x1  }
0x17: {  	s4 =	simm.s32 $0x1BF5;
	[smem:$0x3FB9] =	sst s0  }
0x18: {  	s0 =	sld [smem:$0x3F9C];
	_ =	swait.ge [sflag:s4], $0x0  }
0x19: {  	s7 =	sld [smem:$0x3F9D]  }
0x1a: {  	s8 =	sadd.s32 $0xFFFFE003, lr  }
0x1b: {  	s9 =	sadd.s32 $0xFFFFFEF7, lr;
	s5 =	simm.s32 $0xFFFFFFFF;
	p2 =	slt.u32 s8, $0xFFFFF086  }
0x1c: {  	p1 =	slt.u32 s9, $0xF7A;
	s5 =	simm.s32 @!p2 $0x0  }
0x1d: {  	s5 =	simm.s32 @p1 $0x1;
	p0 =	seq.s32 s7, s2  }
0x1e: {  	s7 =	smul.u32 @!p0 $0xF7A, s2;
	p2 =	seq.s32 @!p0 s5, $0x0  }
0x1f: {  	s9 =	smul.u32 $0xF7A, s1;
	s8 =	simm.s32 @!p0 $0x1BF5;
	p2 =	por !p2, p0  }
0x20: {  	[sflag:s8] =	ssyncset.s32 @!p0 $0xFFFFF086;
	s6 =	sadd.s32 @!p0 s3, s7;
	s7 =	simm.s32 @!p0 $0x108  }
0x21: {  	s3 =	sadd.s32 s3, s9;
	s6 =	sadd.s32 @!p0 $0x88, s6;
	s7 =	simm.s32 @p2 $0x1082  }
0x22: {  	[simem:s7], [sflag:s8] =	dma.local @!p0 [hbm:s6], $0xF7A  }
0x23: {  	s9 =	sor.u32 $0xD0000000, s2;
	s6 =	simm.s32 $0x108;
	_ =	swait.ge @!p0 [sflag:s8], $0x0  }
0x24: {  	s3 =	sadd.s32 $0x88, s3;
	s6 =	simm.s32 @!p1 $0x1082;
	[sflag:s4] =	ssyncset.s32 $0xFFFFF086  }
0x25: {  	[simem:s6], [sflag:s4] =	dma.local [hbm:s3], $0xF7A  }
0x26: {  	[smem:$0x3F9D] =	sst s1;
	(tag) =	ssettag s2;
	_ =	strace s9  }
0x27: {  	s1 =	sld [smem:$0x3FAD]  }
0x28: {  	s2 =	sld [smem:$0x3FAE]  }
0x29: {  	s4 =	sld [smem:$0x3FB0]  }
0x2a: {  	p0 =	seq.s32 s5, $0x0;
	s5 =	sld [smem:$0x3FB1]  }
0x2b: {  	s6 =	sld [smem:$0x3FB2]  }
0x2c: {  	s7 =	sld [smem:$0x3FB3]  }
0x2d: {  	s3 =	simm.s32 $0x108;
	s8 =	sld [smem:$0x3FB4]  }
0x2e: {  	s3 =	simm.s32 @!p0 $0x1082;
	s9 =	sld [smem:$0x3FB5]  }
0x2f: {  	lr =	sadd.s32 s0, s3;
	s0 =	sld [smem:$0x3FAC]  }
0x30: {  	s3 =	sld [smem:$0x3FAF]  }
0x31: {  	[smem:$0x3FB8] =	sst s10  }
0x32: {  	s10 =	sld [smem:$0x3FB6];
	_ =	sdelay $0x3  }
0x33: {  	p0 =	seq.s32 s10, $0x1;
	s10 =	sld [smem:$0x3FB8];
	_ =	sdelay $0x3  }
0x34: {  	[smem:$0x3FB8] =	sst s10  }
0x35: {  	s10 =	sld [smem:$0x3FB7];
	_ =	sdelay $0x3  }
0x36: {  	p1 =	seq.s32 s10, $0x1;
	s10 =	sld [smem:$0x3FB8];
	_ =	sdelay $0x3  }
0x37: {  	[smem:$0x3FB8] =	sst s10  }
0x38: {  	s10 =	sld [smem:$0x3FB9]  }
0x39: {  	_ = 	snop;
	(pc) =	sbr.ind lr, $3  }
0x3a: {  	_ = 	snop  }
0x3b: {  	_ = 	snop  }
0x3c: {  	p2 =	seq.s32 s10, $0x1;
	s10 =	sld [smem:$0x3FB8]  }
0x3d: {  	_ =	shalt  }
0x3e: {  	_ =	shalt  }
0x3f: {  	_ =	shalt  }
0x40: {  	_ =	shalt  }
0x41: {  	_ =	shalt  }
0x42: {  	_ =	shalt  }
0x43: {  	_ =	shalt  }
0x44: {  	_ =	shalt  }
0x45: {  	_ =	shalt  }
0x46: {  	_ =	shalt  }
0x47: {  	_ =	shalt  }
0x48: {  	_ =	shalt  }
0x49: {  	_ =	shalt  }
0x4a: {  	_ =	shalt  }
0x4b: {  	_ =	shalt  }
0x4c: {  	_ =	shalt  }
0x4d: {  	_ =	shalt  }
0x4e: {  	_ =	shalt  }
0x4f: {  	_ =	shalt  }
0x50: {  	_ =	shalt  }
0x51: {  	_ =	shalt  }
0x52: {  	_ =	shalt  }
0x53: {  	_ =	shalt  }
0x54: {  	_ =	shalt  }
0x55: {  	_ =	shalt  }
0x56: {  	_ =	shalt  }
0x57: {  	_ =	shalt  }
0x58: {  	_ =	shalt  }
0x59: {  	_ =	shalt  }
0x5a: {  	_ =	shalt  }
0x5b: {  	_ =	shalt  }
0x5c: {  	_ =	shalt  }
0x5d: {  	_ =	shalt  }
0x5e: {  	_ =	shalt  }
0x5f: {  	_ =	shalt  }
0x60: {  	_ =	shalt  }
0x61: {  	_ =	shalt  }
0x62: {  	_ =	shalt  }
0x63: {  	_ =	shalt  }
0x64: {  	_ =	shalt  }
0x65: {  	_ =	shalt  }
0x66: {  	_ =	shalt  }
0x67: {  	_ =	shalt  }
0x68: {  	_ =	shalt  }
0x69: {  	_ =	shalt  }
0x6a: {  	_ =	shalt  }
0x6b: {  	_ =	shalt  }
0x6c: {  	_ =	shalt  }
0x6d: {  	_ =	shalt  }
0x6e: {  	_ =	shalt  }
0x6f: {  	_ =	shalt  }
0x70: {  	_ =	shalt  }
0x71: {  	_ =	shalt  }
0x72: {  	_ =	shalt  }
0x73: {  	_ =	shalt  }
0x74: {  	_ =	shalt  }
0x75: {  	_ =	shalt  }
0x76: {  	_ =	shalt  }
0x77: {  	_ =	shalt  }
0x78: {  	_ =	shalt  }
0x79: {  	_ =	shalt  }
0x7a: {  	_ =	shalt  }
0x7b: {  	_ =	shalt  }
0x7c: {  	_ =	shalt  }
0x7d: {  	_ =	shalt  }
0x7e: {  	_ =	shalt  }
0x7f: {  	_ =	shalt  }
0x80: {  	_ =	shalt  }
0x81: {  	_ =	shalt  }
0x82: {  	_ =	shalt  }
0x83: {  	_ =	shalt  }
0x84: {  	_ =	shalt  }
0x85: {  	_ =	shalt  }
0x86: {  	_ =	shalt  }
0x87: {  	_ =	shalt  }
.Lfunc_end0:
.L_simem_size_0:
called_computation_lowered:
.L_overlay_start_0:
0x88: {  	s2 =	sld [smem:$0x3FD9]  }
0x89: {  	s3 =	sld [smem:$0x3FFE];
	_ =	sdelay $0x1  }
0x8a: {  	s1 =	srdreg.scid  }
0x8b: {  	s0 =	sand.u32 $0x1, s1  }
0x8c: {  	s17 =	sshll.u32 s0, $0xA;
	s2 =	sadd.s32 s3, s2  }
0x8d: {  	s2 =	sadd.s32 s2, s17  }
0x8e: {  	[smem:$0x3FC4] =	sst s2  }
0x8f: {  	_ = 	snop  }
0x90: {  	s2 =	sld [smem:$0x3FC9]  }
0x91: {  	s18 =	sld [smem:$0x3FC8]  }
0x92: {  	s4 =	sld [smem:$0x3FC7]  }
0x93: {  	s5 =	sld [smem:$0x3FD0];
	(tm) =	ssettm $0x1  }
0x94: {  	s6 =	sld [smem:$0x3FFB];
	_ =	sdelay $0x3  }
0x95: {  	_ =	strace s6  }
0x96: {  	s6 =	sld [smem:$0x3FFC];
	_ =	sdelay $0x3  }
0x97: {  	_ =	strace s6  }
0x98: {  	s6 =	sld [smem:$0x3FFD];
	_ =	sdelay $0x3  }
0x99: {  	_ =	strace s6  }
0x9a: {  	_ =	strace $0x8FFFFFFF  }
0x9b: {  	s19 =	sld [smem:$0x3FDB];
	_ =	sdelay $0x1  }
0x9c: {  	s7 =	simm.s32 $_scs_section_size  }
0x9d: {  	s8 =	simm.s32 $_size__tile_overlayer_lowered;
	s9 =	simm.s32 $_tile_overlayer_lowered  }
0x9e: {  	s22 =	simm.s32 $0x1BFF;
	s21 =	sshll.u32 s9, $0x1;
	s6 =	sadd.s32 s7, s19  }
0x9f: {  	s10 =	simm.s32 $0x0;
	s20 =	sshll.u32 s8, $0x1;
	s8 =	sadd.s32 s21, s6  }
0xa0: {  	[timem:s10], [sflag:s22] =	dma.local [hbm:s8], s20  }
0xa1: {  	_ =	swait.ge [sflag:s22], s20  }
0xa2: {  	s7 =	ssub.s32 $0x0, s20;
	[sflag:s22] =	ssyncset.done $0x0  }
0xa3: {  	[sflag:s22] =	ssyncadd.s32 s7;
	_ =	sdelay $0x1  }
0xa4: {  	s23 =	simm.s32 $0x1B8B  }
0xa5: {  	_ =	swait.ge [sflag:s23], $0x1  }
0xa6: {  	[sflag:s23] =	ssyncset.done $0x0  }
0xa7: {  	s25 =	simm.s32 $0x1B8E;
	s24 =	sld [smem:$0x3FFE];
	[sflag:s23] =	ssyncadd.s32 $0xFFFFFFFF  }
0xa8: {  	s26 =	simm.s32 $execute0_lowered;
	[smem:$0x3FD2] =	sst s25  }
0xa9: {  	s8 =	sshll.u32 s26, $0x1;
	_ =	strace $0x80000046;
	[dreg:$0x1] =	wrdreg $0xFFFFFFFF  }
0xaa: {  	s28 =	simm.s32 $_size_execute0_lowered;
	s6 =	sadd.s32 s6, s8;
	[dreg:$0x0] =	wrdreg $0x0  }
0xab: {  	s8 =	sshll.u32 s28, $0x1;
	[dreg:$0x2] =	wrdreg s6  }
0xac: {  	[dreg:$0x3] =	wrdreg s8  }
0xad: {  	[dreg:$0x4] =	wrdreg $0xC0  }
0xae: {  	_ =	task [dreg:s10], $0x5FFFF  }
0xaf: {  	[dreg:$0x1] =	wrdreg $0xFFFFFFFF  }
0xb0: {  	[dreg:$0x0] =	wrdreg $0x60  }
0xb1: {  	[dreg:$0x2] =	wrdreg s2  }
0xb2: {  	[dreg:$0x3] =	wrdreg s18  }
0xb3: {  	[dreg:$0x4] =	wrdreg s4  }
0xb4: {  	[dreg:$0x5] =	wrdreg s24  }
0xb5: {  	[dreg:$0x6] =	wrdreg s5  }
0xb6: {  	[dreg:$0x7] =	wrdreg $0x9  }
0xb7: {  	_ =	task.clear_ibuf [dreg:s10], $0x8FFFF;
	_ =	strace $0x90000046  }
0xb8: {  	s29 =	simm.s32 $0x9;
	_ =	strace $0x80000048  }
0xb9: {  	_ =	swait.ge [sflag:s29], $0x1  }
0xba: {  	[sflag:s29] =	ssyncadd.s32 $0xFFFFFFFF  }
0xbb: {  	_ =	strace $0x90000048  }
0xbc: {  	_ =	sfence  }
0xbd: {  	s30 =	sld [smem:$0x0];
	_ =	sdelay $0x2  }
0xbe: {  	s31 =	sshll.u32 s1, $0xD;
	s1 =	sshrl.u32 s1, $0x2  }
0xbf: {  	s3 =	sand.u32 $0x4000, s31;
	s1 =	sadd.s32 s1, s30  }
0xc0: {  	s0 =	sor.u32 s3, s0;
	s1 =	sshll.u32 s1, $0x11  }
0xc1: {  	s0 =	sor.u32 s1, s0  }
0xc2: {  	s0 =	sadd.s32 $0x8F2B, s0  }
0xc3: {  	[sflag:s0] =	ssyncadd.remote.s32 $0x1  }
0xc4: {  	_ =	sfence.sel $0xFFFF  }
0xc5: {  	[dreg:$0x0] =	wrdreg $0xFFFFFFFF;
	(pc) =	sbr.abs _section_cstart, $3  }
0xc6: {  	[dreg:$0x1] =	wrdreg $0xFFFFFFFF  }
0xc7: {  	_ =	task.clear_ibuf [dreg:s10], $0x2FFFF;
	_ =	strace $0x9FFFFFFF  }
0xc8: {  	(tm) =	ssettm $0x7FFFFFFF  }
0xc9: {  	_ =	shalt  }
tec
execute0_lowered:
.L_overlay_start_1:
0x0: {  	(tag) =	ssettag $0x1  }
0x1: {  	s5 =	rddreg [dreg:$0x0]  }
0x2: {  	s6 =	rddreg [dreg:$0x1]  }
0x3: {  	s1 =	rddreg [dreg:$0x2]  }
0x4: {  	s4 =	rddreg [dreg:$0x3]  }
0x5: {  	s7 =	rddreg [dreg:$0x4]  }
0x6: {  	s0 =	rddreg [dreg:$0x5]  }
0x7: {  	s3 =	simm.s32 $0x0;
	s8 =	srdreg.scid;
	s2 =	stileid.u32  }
0x8: {  	s12 =	simm.s32 $0x4100;
	s13 =	simm.s32 $0x2;
	s14 =	simm.s32 $0x3  }
0x9: {  	v0 =	vlaneseq.u32;
	s15 =	simm.s32 $0x6100;
	s16 =	simm.s32 $0x4;
	s17 =	simm.s32 $0x0  }
0xa: {  	[smem:$0x7FF] =	sst s3;
	s8 =	sand.u32 $0x1, s8;
	s9 =	sshll.u32 s2, $0x1;
	v0 =	vmul.u32 $0x88, v0  }
0xb: {  	s4 =	sadd.s32 $0x400, s4;
	s10 =	ssub.s32 $0x2, s8;
	s8 =	sor.u32 s8, s9  }
0xc: {  	_ =	strace $0x80000047;
	s31 =	sshrl.u32 s10, $0x1;
	s11 =	sshll.u32 s8, $0x4;
	v1 =	vadd.s32 $0x880, v0;
	v2 =	vadd.s32 $0x1100, v0  }
0xd: {  	s8 =	sshll.u32 s8, $0x7;
	v3 =	vadd.s32 $0x1980, v0;
	v4 =	vadd.s32 $0x2200, v0;
	v5 =	vadd.s32 $0x2A80, v0;
	s9 =	ssub.s32 s10, s31;
	s5 =	sadd.s32 s5, s11  }
0xe: {  	v6 =	vadd.s32 $0x3300, v0;
	v7 =	vadd.s32 $0x3B80, v0;
	v8 =	vadd.s32 $0x4400, v0;
	s6 =	sadd.s32 s6, s11;
	s7 =	sadd.s32 s7, s8;
	s10 =	simm.s32 $0x1  }
0xf: {  	v9 =	vadd.s32 $0x4C80, v0;
	v10 =	vadd.s32 $0x5500, v0;
	v11 =	vadd.s32 $0x5D80, v0;
	s11 =	simm.s32 $0x100;
	s8 =	smax.u32 s9, $0x1;
	s9 =	simm.s32 $0x80  }
.LBB2_1:
0x10: {  	[tilespmem:s3], [sflag:$0x1] =	stream.linear.gather [hbm4b:s5+s3], $0x80, $0x38;
	[tilespmem:$0xC700] =	vst v63  }
0x11: {  	_ = 	snop  }
0x12: {  	[tilespmem:s9], [sflag:$0x1] =	stream.linear.gather [hbm4b:s6+s3], $0x80, $0x38;
	[tilespmem:$0xC700] =	vst v63  }
0x13: {  	_ =	swait.ge [sflag:s10], $0x80  }
0x14: {  	[sflag:s10] =	ssyncset.done $0x0  }
0x15: {  	[sflag:s10] =	ssyncadd.s32 $0xFFFFFF80  }
0x16: {  	[tilespmem:s11], [sflag:$0x2] =	stream.indirect.gather [hbm4b:s1+s9], $0x80, s3, s9, $0xb8;
	[tilespmem:$0xC700] =	vst v63  }
0x17: {  	_ =	swait.ge [sflag:s10], $0x80  }
0x18: {  	[sflag:s10] =	ssyncset.done $0x0  }
0x19: {  	[sflag:s10] =	ssyncadd.s32 $0xFFFFFF80  }
0x1a: {  	[tilespmem:s12], [sflag:$0x3] =	stream.indirect.gather [hbm4b:s4+s9], $0x40, s9, s9, $0xb8;
	[tilespmem:$0xC700] =	vst v63  }
0x1b: {  	_ =	swait.ge [sflag:s13], $0x4000  }
0x1c: {  	[sflag:s13] =	ssyncset.done $0x0  }
0x1d: {  	[sflag:s13] =	ssyncadd.s32 $0xFFFFC000  }
0x1e: {  	_ =	swait.ge [sflag:s14], $0x2000  }
0x1f: {  	v12 =	vmov s3;
	[sflag:s14] =	ssyncset.done $0x0  }
0x20: {  	s20 =	simm.s32 $0x140;
	v18 =	vand.u32 $0x7F, v12;
	[sflag:s14] =	ssyncadd.s32 $0xFFFFE000  }
0x21: {  	v13 =	vadd.s32 v0, v18;
	v12 =	vld [tilespmem:s20+$0xFFFFFFC0];
	_ =	sdelay $0x4  }
0x22: {  	[tilespmem:v13+s15+$0x0] =	vst.idx.msk $0xffff, v12  }
0x23: {  	v14 =	vadd.s32 v1, v18;
	v13 =	vld [tilespmem:s20+$0xFFFFFFD0];
	_ =	sdelay $0x1  }
0x24: {  	s18 =	simm.s32 $0x1  }
0x25: {  	v12 =	vmov s18  }
0x26: {  	s19 =	simm.s32 $0x1C0;
	v12 =	vand.u32 $0x7F, v12  }
0x27: {  	[tilespmem:v14+s15+$0x0] =	vst.idx.msk $0xffff, v13;
	v13 =	vld [tilespmem:s19+$0xFFFFFFC0];
	v14 =	vadd.s32 v0, v12  }
0x28: {  	v16 =	vadd.s32 v2, v18;
	v15 =	vld [tilespmem:s20+$0xFFFFFFE0];
	_ =	sdelay $0x3  }
0x29: {  	[tilespmem:v14+s15+$0x0] =	vst.idx.msk $0xffff, v13  }
0x2a: {  	v17 =	vadd.s32 v1, v12;
	v14 =	vld [tilespmem:s19+$0xFFFFFFD0];
	[tilespmem:v16+s15+$0x0] =	vst.idx.msk $0xffff, v15  }
0x2b: {  	v16 =	vadd.s32 v3, v18;
	v15 =	vld [tilespmem:s20+$0xFFFFFFF0]  }
0x2c: {  	s28 =	simm.s32 $0x2  }
0x2d: {  	v13 =	vmov s28  }
0x2e: {  	s21 =	simm.s32 $0x240;
	v13 =	vand.u32 $0x7F, v13  }
0x2f: {  	[tilespmem:v17+s15+$0x0] =	vst.idx.msk $0xffff, v14;
	v14 =	vld [tilespmem:s21+$0xFFFFFFC0];
	v17 =	vadd.s32 v0, v13  }
0x30: {  	[tilespmem:v16+s15+$0x0] =	vst.idx.msk $0xffff, v15;
	v15 =	vld [tilespmem:s19+$0xFFFFFFE0];
	v16 =	vadd.s32 v2, v12  }
0x31: {  	v20 =	vadd.s32 v4, v18;
	v19 =	vld [tilespmem:s20+$0x0];
	_ =	sdelay $0x2  }
0x32: {  	[tilespmem:v17+s15+$0x0] =	vst.idx.msk $0xffff, v14  }
0x33: {  	v21 =	vadd.s32 v1, v13;
	v17 =	vld [tilespmem:s21+$0xFFFFFFD0];
	[tilespmem:v16+s15+$0x0] =	vst.idx.msk $0xffff, v15  }
0x34: {  	v16 =	vadd.s32 v3, v12;
	v15 =	vld [tilespmem:s19+$0xFFFFFFF0];
	[tilespmem:v20+s15+$0x0] =	vst.idx.msk $0xffff, v19  }
0x35: {  	s29 =	simm.s32 $0x3;
	v20 =	vadd.s32 v5, v18;
	v19 =	vld [tilespmem:s20+$0x10]  }
0x36: {  	v14 =	vmov s29  }
0x37: {  	s18 =	simm.s32 $0x2C0;
	v14 =	vand.u32 $0x7F, v14  }
0x38: {  	[tilespmem:v21+s15+$0x0] =	vst.idx.msk $0xffff, v17;
	v17 =	vld [tilespmem:s18+$0xFFFFFFC0];
	v21 =	vadd.s32 v0, v14  }
0x39: {  	[tilespmem:v16+s15+$0x0] =	vst.idx.msk $0xffff, v15;
	v15 =	vld [tilespmem:s21+$0xFFFFFFE0];
	v16 =	vadd.s32 v2, v13  }
0x3a: {  	[tilespmem:v20+s15+$0x0] =	vst.idx.msk $0xffff, v19;
	v19 =	vld [tilespmem:s19+$0x0];
	v20 =	vadd.s32 v4, v12  }
0x3b: {  	v23 =	vadd.s32 v6, v18;
	v22 =	vld [tilespmem:s20+$0x20];
	_ =	sdelay $0x1  }
0x3c: {  	[tilespmem:v21+s15+$0x0] =	vst.idx.msk $0xffff, v17  }
0x3d: {  	v21 =	vadd.s32 v1, v14;
	v17 =	vld [tilespmem:s18+$0xFFFFFFD0];
	[tilespmem:v16+s15+$0x0] =	vst.idx.msk $0xffff, v15  }
0x3e: {  	v24 =	vadd.s32 v3, v13;
	v16 =	vld [tilespmem:s21+$0xFFFFFFF0];
	[tilespmem:v20+s15+$0x0] =	vst.idx.msk $0xffff, v19  }
0x3f: {  	s22 =	simm.s32 $0x4;
	v20 =	vadd.s32 v5, v12;
	v19 =	vld [tilespmem:s19+$0x10];
	[tilespmem:v23+s15+$0x0] =	vst.idx.msk $0xffff, v22  }
0x40: {  	v15 =	vmov s22;
	v23 =	vadd.s32 v7, v18;
	v22 =	vld [tilespmem:s20+$0x30]  }
0x41: {  	v15 =	vand.u32 $0x7F, v15;
	s20 =	simm.s32 $0x340  }
0x42: {  	[tilespmem:v21+s15+$0x0] =	vst.idx.msk $0xffff, v17;
	v17 =	vld [tilespmem:s20+$0xFFFFFFC0];
	v21 =	vadd.s32 v0, v15  }
0x43: {  	[tilespmem:v24+s15+$0x0] =	vst.idx.msk $0xffff, v16;
	v16 =	vld [tilespmem:s18+$0xFFFFFFE0];
	v24 =	vadd.s32 v2, v14  }
0x44: {  	[tilespmem:v20+s15+$0x0] =	vst.idx.msk $0xffff, v19;
	v19 =	vld [tilespmem:s21+$0x0];
	v20 =	vadd.s32 v4, v13  }
0x45: {  	s24 =	simm.s32 $0x4120;
	[tilespmem:v23+s15+$0x0] =	vst.idx.msk $0xffff, v22;
	v22 =	vld [tilespmem:s19+$0x20];
	v23 =	vadd.s32 v6, v12  }
0x46: {  	v26 =	vadd.s32 v8, v18;
	v25 =	vld [tilespmem:s24+$0xFFFFFFE0]  }
0x47: {  	[tilespmem:v21+s15+$0x0] =	vst.idx.msk $0xffff, v17  }
0x48: {  	v21 =	vadd.s32 v1, v15;
	v17 =	vld [tilespmem:s20+$0xFFFFFFD0];
	[tilespmem:v24+s15+$0x0] =	vst.idx.msk $0xffff, v16  }
0x49: {  	v27 =	vadd.s32 v3, v14;
	v24 =	vld [tilespmem:s18+$0xFFFFFFF0];
	[tilespmem:v20+s15+$0x0] =	vst.idx.msk $0xffff, v19  }
0x4a: {  	s30 =	simm.s32 $0x5;
	v20 =	vadd.s32 v5, v13;
	v19 =	vld [tilespmem:s21+$0x10];
	[tilespmem:v23+s15+$0x0] =	vst.idx.msk $0xffff, v22  }
0x4b: {  	v16 =	vmov s30;
	v23 =	vadd.s32 v7, v12;
	v22 =	vld [tilespmem:s19+$0x30];
	[tilespmem:v26+s15+$0x0] =	vst.idx.msk $0xffff, v25  }
0x4c: {  	s22 =	simm.s32 $0x3C0;
	v16 =	vand.u32 $0x7F, v16;
	v26 =	vadd.s32 v9, v18;
	v25 =	vld [tilespmem:s24+$0xFFFFFFF0]  }
0x4d: {  	[tilespmem:v21+s15+$0x0] =	vst.idx.msk $0xffff, v17;
	v17 =	vld [tilespmem:s22+$0xFFFFFFC0];
	v21 =	vadd.s32 v0, v16  }
0x4e: {  	[tilespmem:v27+s15+$0x0] =	vst.idx.msk $0xffff, v24;
	v24 =	vld [tilespmem:s20+$0xFFFFFFE0];
	v27 =	vadd.s32 v2, v15  }
0x4f: {  	[tilespmem:v20+s15+$0x0] =	vst.idx.msk $0xffff, v19;
	v19 =	vld [tilespmem:s18+$0x0];
	v20 =	vadd.s32 v4, v14  }
0x50: {  	s19 =	simm.s32 $0x4160;
	[tilespmem:v23+s15+$0x0] =	vst.idx.msk $0xffff, v22;
	v22 =	vld [tilespmem:s21+$0x20];
	v23 =	vadd.s32 v6, v13  }
0x51: {  	[tilespmem:v26+s15+$0x0] =	vst.idx.msk $0xffff, v25;
	v25 =	vld [tilespmem:s19+$0xFFFFFFE0];
	v26 =	vadd.s32 v8, v12  }
0x52: {  	[tilespmem:v21+s15+$0x0] =	vst.idx.msk $0xffff, v17;
	v17 =	vld [tilespmem:s24+$0x0];
	v21 =	vadd.s32 v10, v18  }
0x53: {  	v29 =	vadd.s32 v1, v16;
	v28 =	vld [tilespmem:s22+$0xFFFFFFD0];
	[tilespmem:v27+s15+$0x0] =	vst.idx.msk $0xffff, v24  }
0x54: {  	v27 =	vadd.s32 v3, v15;
	v24 =	vld [tilespmem:s20+$0xFFFFFFF0];
	[tilespmem:v20+s15+$0x0] =	vst.idx.msk $0xffff, v19  }
0x55: {  	v30 =	vadd.s32 v5, v14;
	v20 =	vld [tilespmem:s18+$0x10];
	[tilespmem:v23+s15+$0x0] =	vst.idx.msk $0xffff, v22  }
0x56: {  	s31 =	simm.s32 $0x6;
	v31 =	vadd.s32 v7, v13;
	v23 =	vld [tilespmem:s21+$0x30];
	[tilespmem:v26+s15+$0x0] =	vst.idx.msk $0xffff, v25  }
0x57: {  	v33 =	vadd.s32 v9, v12;
	v32 =	vld [tilespmem:s19+$0xFFFFFFF0];
	[tilespmem:v21+s15+$0x0] =	vst.idx.msk $0xffff, v17;
	v17 =	vmov s31  }
0x58: {  	s23 =	simm.s32 $0x440;
	v18 =	vadd.s32 v11, v18;
	[tilespmem:v29+s15+$0x0] =	vst.idx.msk $0xffff, v28;
	v19 =	vld [tilespmem:s24+$0x10];
	v17 =	vand.u32 $0x7F, v17  }
0x59: {  	v25 =	vld [tilespmem:s23+$0xFFFFFFC0];
	[tilespmem:v27+s15+$0x0] =	vst.idx.msk $0xffff, v24;
	v27 =	vadd.s32 v0, v17  }
0x5a: {  	v26 =	vadd.s32 v2, v16;
	v24 =	vld [tilespmem:s22+$0xFFFFFFE0];
	[tilespmem:v30+s15+$0x0] =	vst.idx.msk $0xffff, v20  }
0x5b: {  	v22 =	vld [tilespmem:s20+$0x0];
	[tilespmem:v31+s15+$0x0] =	vst.idx.msk $0xffff, v23;
	v23 =	vadd.s32 v4, v15  }
0x5c: {  	s21 =	simm.s32 $0x41A0;
	v21 =	vadd.s32 v6, v14;
	s24 =	simm.s32 $0x7;
	v20 =	vld [tilespmem:s18+$0x20];
	[tilespmem:v33+s15+$0x0] =	vst.idx.msk $0xffff, v32  }
.LBB2_2:
0x5d: {  	p0 =	sne.s32 s24, $0x7F;
	v28 =	vld [tilespmem:s21+$0xFFFFFFE0];
	v29 =	vadd.s32 v8, v13;
	[tilespmem:v18+s15+$0x0] =	vst.idx.msk $0xffff, v19  }
0x5e: {  	v19 =	vadd.s32 v10, v12;
	[tilespmem:v27+s15+$0x0] =	vst.idx.msk $0xffff, v25;
	v18 =	vld [tilespmem:s19+$0x0]  }
0x5f: {  	v27 =	vadd.s32 v1, v17;
	v25 =	vld [tilespmem:s23+$0xFFFFFFD0];
	[tilespmem:v26+s15+$0x0] =	vst.idx.msk $0xffff, v24  }
0x60: {  	v26 =	vadd.s32 v3, v16;
	v24 =	vld [tilespmem:s22+$0xFFFFFFF0];
	[tilespmem:v23+s15+$0x0] =	vst.idx.msk $0xffff, v22  }
0x61: {  	v23 =	vadd.s32 v5, v15;
	v22 =	vld [tilespmem:s20+$0x10];
	[tilespmem:v21+s15+$0x0] =	vst.idx.msk $0xffff, v20  }
0x62: {  	v21 =	vadd.s32 v7, v14;
	v20 =	vld [tilespmem:s18+$0x30];
	[tilespmem:v29+s15+$0x0] =	vst.idx.msk $0xffff, v28;
	s18 =	smov.u32 s20;
	s20 =	smov.u32 s22;
	s22 =	smov.u32 s23  }
0x63: {  	v30 =	vadd.s32 v9, v13;
	v28 =	vmov s24;
	v29 =	vld [tilespmem:s21+$0xFFFFFFF0];
	[tilespmem:v19+s15+$0x0] =	vst.idx.msk $0xffff, v18  }
.Ltmp0:
0x64: {  	s23 =	sadd.s32 $0x80, s23;
	v28 =	vand.u32 $0x7F, v28;
	v18 =	vadd.s32 v11, v12;
	v12 =	vmovc v13;
	v13 =	vmov v14;
	[tilespmem:v27+s15+$0x0] =	vst.idx.msk $0xffff, v25;
	v19 =	vld [tilespmem:s19+$0x10];
	s19 =	smov.u32 s21;
	(pc) =	sbr.rel @p0 .LBB2_2-.Ltmp0, $4  }
0x65: {  	v14 =	vmovc v15;
	v15 =	vmov v16;
	v16 =	vmov v17;
	v27 =	vadd.s32 v0, v28;
	v25 =	vld [tilespmem:s23+$0xFFFFFFC0];
	[tilespmem:v26+s15+$0x0] =	vst.idx.msk $0xffff, v24  }
0x66: {  	v17 =	vmov v28;
	v26 =	vadd.s32 v2, v16;
	v24 =	vld [tilespmem:s22+$0xFFFFFFE0];
	[tilespmem:v23+s15+$0x0] =	vst.idx.msk $0xffff, v22  }
0x67: {  	v23 =	vadd.s32 v4, v15;
	v22 =	vld [tilespmem:s20+$0x0];
	[tilespmem:v21+s15+$0x0] =	vst.idx.msk $0xffff, v20  }
0x68: {  	s24 =	sadd.s32 $0x1, s24;
	s21 =	sadd.s32 $0x40, s21;
	v21 =	vadd.s32 v6, v14;
	v20 =	vld [tilespmem:s18+$0x20];
	[tilespmem:v30+s15+$0x0] =	vst.idx.msk $0xffff, v29  }
0x69: {  	_ =	sdelay $0x3  }
0x6a: {  	[tilespmem:v27+s15+$0x0] =	vst.idx.msk $0xffff, v25  }
0x6b: {  	v55 =	vadd.s32 v1, v17;
	v25 =	vld [tilespmem:s23+$0xFFFFFFD0];
	_ =	sdelay $0x4  }
0x6c: {  	[tilespmem:v55+s15+$0x0] =	vst.idx.msk $0xffff, v25  }
0x6d: {  	v56 =	vadd.s32 v2, v17;
	v25 =	vld [tilespmem:s23+$0xFFFFFFE0];
	_ =	sdelay $0x3  }
0x6e: {  	[tilespmem:v26+s15+$0x0] =	vst.idx.msk $0xffff, v24  }
0x6f: {  	v57 =	vadd.s32 v3, v16;
	v24 =	vld [tilespmem:s22+$0xFFFFFFF0];
	[tilespmem:v56+s15+$0x0] =	vst.idx.msk $0xffff, v25  }
0x70: {  	v58 =	vadd.s32 v3, v17;
	v25 =	vld [tilespmem:s23+$0xFFFFFFF0];
	_ =	sdelay $0x3  }
0x71: {  	[tilespmem:v57+s15+$0x0] =	vst.idx.msk $0xffff, v24  }
0x72: {  	v59 =	vadd.s32 v4, v16;
	v24 =	vld [tilespmem:s22+$0x0];
	[tilespmem:v58+s15+$0x0] =	vst.idx.msk $0xffff, v25  }
0x73: {  	v60 =	vadd.s32 v4, v17;
	v25 =	vld [tilespmem:s23+$0x0];
	_ =	sdelay $0x1  }
0x74: {  	[tilespmem:v23+s15+$0x0] =	vst.idx.msk $0xffff, v22  }
0x75: {  	v61 =	vadd.s32 v5, v15;
	v22 =	vld [tilespmem:s20+$0x10]  }
0x76: {  	[tilespmem:v59+s15+$0x0] =	vst.idx.msk $0xffff, v24  }
0x77: {  	v62 =	vadd.s32 v5, v16;
	v24 =	vld [tilespmem:s22+$0x10];
	[tilespmem:v60+s15+$0x0] =	vst.idx.msk $0xffff, v25  }
0x78: {  	v63 =	vadd.s32 v5, v17;
	v25 =	vld [tilespmem:s23+$0x10];
	_ =	sdelay $0x1  }
0x79: {  	[tilespmem:v61+s15+$0x0] =	vst.idx.msk $0xffff, v22  }
0x7a: {  	v30 =	vadd.s32 v6, v15;
	v22 =	vld [tilespmem:s20+$0x20]  }
0x7b: {  	[tilespmem:v62+s15+$0x0] =	vst.idx.msk $0xffff, v24  }
0x7c: {  	v31 =	vadd.s32 v6, v16;
	v24 =	vld [tilespmem:s22+$0x20];
	[tilespmem:v63+s15+$0x0] =	vst.idx.msk $0xffff, v25  }
0x7d: {  	v32 =	vadd.s32 v6, v17;
	v25 =	vld [tilespmem:s23+$0x20]  }
0x7e: {  	[tilespmem:v21+s15+$0x0] =	vst.idx.msk $0xffff, v20  }
0x7f: {  	v33 =	vadd.s32 v7, v14;
	v20 =	vld [tilespmem:s18+$0x30];
	[tilespmem:v30+s15+$0x0] =	vst.idx.msk $0xffff, v22  }
0x80: {  	v34 =	vadd.s32 v7, v15;
	v22 =	vld [tilespmem:s20+$0x30]  }
0x81: {  	[tilespmem:v31+s15+$0x0] =	vst.idx.msk $0xffff, v24  }
0x82: {  	v35 =	vadd.s32 v7, v16;
	v24 =	vld [tilespmem:s22+$0x30];
	[tilespmem:v32+s15+$0x0] =	vst.idx.msk $0xffff, v25  }
0x83: {  	v36 =	vadd.s32 v7, v17;
	v25 =	vld [tilespmem:s23+$0x30]  }
0x84: {  	v28 =	vld [tilespmem:s21+$0xFFFFFFE0];
	v29 =	vadd.s32 v8, v13;
	s26 =	sadd.s32 $0x40, s21;
	[tilespmem:v33+s15+$0x0] =	vst.idx.msk $0xffff, v20  }
0x85: {  	v37 =	vadd.s32 v8, v14;
	s28 =	sadd.s32 $0x40, s26;
	v20 =	vld [tilespmem:s26+$0xFFFFFFE0];
	[tilespmem:v34+s15+$0x0] =	vst.idx.msk $0xffff, v22  }
0x86: {  	v38 =	vadd.s32 v8, v15;
	v22 =	vld [tilespmem:s28+$0xFFFFFFE0]  }
0x87: {  	s29 =	sadd.s32 $0x40, s28;
	[tilespmem:v35+s15+$0x0] =	vst.idx.msk $0xffff, v24  }
0x88: {  	v39 =	vadd.s32 v8, v16;
	s30 =	sadd.s32 $0x40, s29;
	v24 =	vld [tilespmem:s29+$0xFFFFFFE0];
	[tilespmem:v36+s15+$0x0] =	vst.idx.msk $0xffff, v25  }
0x89: {  	v40 =	vadd.s32 v8, v17;
	[tilespmem:v29+s15+$0x0] =	vst.idx.msk $0xffff, v28;
	v25 =	vld [tilespmem:s30+$0xFFFFFFE0]  }
0x8a: {  	v41 =	vadd.s32 v9, v13;
	v28 =	vld [tilespmem:s21+$0xFFFFFFF0];
	[tilespmem:v37+s15+$0x0] =	vst.idx.msk $0xffff, v20  }
0x8b: {  	v42 =	vadd.s32 v9, v14;
	v20 =	vld [tilespmem:s26+$0xFFFFFFF0];
	[tilespmem:v38+s15+$0x0] =	vst.idx.msk $0xffff, v22  }
0x8c: {  	v43 =	vadd.s32 v9, v15;
	v22 =	vld [tilespmem:s28+$0xFFFFFFF0]  }
0x8d: {  	[tilespmem:v39+s15+$0x0] =	vst.idx.msk $0xffff, v24  }
0x8e: {  	v44 =	vadd.s32 v9, v16;
	v24 =	vld [tilespmem:s29+$0xFFFFFFF0];
	[tilespmem:v40+s15+$0x0] =	vst.idx.msk $0xffff, v25  }
0x8f: {  	v46 =	vadd.s32 v9, v17;
	[tilespmem:v41+s15+$0x0] =	vst.idx.msk $0xffff, v28;
	v45 =	vld [tilespmem:s30+$0xFFFFFFF0]  }
0x90: {  	v49 =	vadd.s32 v10, v13;
	v28 =	vld [tilespmem:s21+$0x0];
	[tilespmem:v42+s15+$0x0] =	vst.idx.msk $0xffff, v20  }
0x91: {  	v50 =	vadd.s32 v10, v14;
	v20 =	vld [tilespmem:s26+$0x0];
	[tilespmem:v43+s15+$0x0] =	vst.idx.msk $0xffff, v22  }
0x92: {  	[tilespmem:v18+s15+$0x0] =	vst.idx.msk $0xffff, v19;
	v51 =	vadd.s32 v10, v15;
	v22 =	vld [tilespmem:s28+$0x0]  }
0x93: {  	v47 =	vld [tilespmem:s19+$0x0];
	v48 =	vadd.s32 v10, v12;
	[tilespmem:v44+s15+$0x0] =	vst.idx.msk $0xffff, v24  }
0x94: {  	v52 =	vadd.s32 v10, v16;
	v24 =	vld [tilespmem:s29+$0x0];
	[tilespmem:v46+s15+$0x0] =	vst.idx.msk $0xffff, v45  }
0x95: {  	v53 =	vadd.s32 v10, v17;
	[tilespmem:v49+s15+$0x0] =	vst.idx.msk $0xffff, v28;
	v18 =	vld [tilespmem:s30+$0x0]  }
0x96: {  	v56 =	vadd.s32 v11, v13;
	v55 =	vld [tilespmem:s21+$0x10];
	[tilespmem:v50+s15+$0x0] =	vst.idx.msk $0xffff, v20  }
0x97: {  	v57 =	vadd.s32 v11, v14;
	v20 =	vld [tilespmem:s26+$0x10];
	[tilespmem:v51+s15+$0x0] =	vst.idx.msk $0xffff, v22  }
0x98: {  	[tilespmem:v48+s15+$0x0] =	vst.idx.msk $0xffff, v47;
	v59 =	vadd.s32 v11, v15;
	v58 =	vld [tilespmem:s28+$0x10]  }
0x99: {  	v54 =	vadd.s32 v11, v12;
	v25 =	vld [tilespmem:s19+$0x10];
	[tilespmem:v52+s15+$0x0] =	vst.idx.msk $0xffff, v24  }
0x9a: {  	v61 =	vadd.s32 v11, v16;
	v60 =	vld [tilespmem:s29+$0x10];
	[tilespmem:v53+s15+$0x0] =	vst.idx.msk $0xffff, v18  }
0x9b: {  	[tilespmem:v56+s15+$0x0] =	vst.idx.msk $0xffff, v55;
	v63 =	vadd.s32 v11, v17;
	v62 =	vld [tilespmem:s30+$0x10]  }
0x9c: {  	[tilespmem:v57+s15+$0x0] =	vst.idx.msk $0xffff, v20  }
0x9d: {  	[tilespmem:v59+s15+$0x0] =	vst.idx.msk $0xffff, v58  }
0x9e: {  	[tilespmem:v54+s15+$0x0] =	vst.idx.msk $0xffff, v25  }
0x9f: {  	[tilespmem:v61+s15+$0x0] =	vst.idx.msk $0xffff, v60  }
0xa0: {  	s31 =	simm.s32 $0x6100;
	[tilespmem:v63+s15+$0x0] =	vst.idx.msk $0xffff, v62  }
0xa1: {  	[hbm4b:s7+s3] =	stream.linear.scatter [tilespmem:s31], [sflag:$0x4], $0x80, $0x38;
	[tilespmem:$0xC700] =	vst v63  }
0xa2: {  	s20 =	sadd.s32 $0x10, s7;
	s19 =	simm.s32 $0x6188  }
0xa3: {  	[hbm4b:s20+s3] =	stream.linear.scatter [tilespmem:s19], [sflag:$0x4], $0x80, $0x38;
	[tilespmem:$0xC700] =	vst v63  }
0xa4: {  	s24 =	sadd.s32 $0x30, s7;
	s21 =	simm.s32 $0x6210;
	s22 =	sadd.s32 $0x20, s7  }
0xa5: {  	[hbm4b:s22+s3] =	stream.linear.scatter [tilespmem:s21], [sflag:$0x4], $0x80, $0x38;
	[tilespmem:$0xC700] =	vst v63  }
0xa6: {  	s25 =	simm.s32 $0x6320;
	s18 =	simm.s32 $0x440;
	s23 =	simm.s32 $0x6298  }
0xa7: {  	[hbm4b:s24+s3] =	stream.linear.scatter [tilespmem:s23], [sflag:$0x4], $0x80, $0x38;
	[tilespmem:$0xC700] =	vst v63  }
0xa8: {  	s26 =	sadd.s32 $0x40, s7;
	s28 =	simm.s32 $0x63A8;
	s29 =	sadd.s32 $0x50, s7  }
0xa9: {  	[hbm4b:s26+s3] =	stream.linear.scatter [tilespmem:s25], [sflag:$0x4], $0x80, $0x38;
	[tilespmem:$0xC700] =	vst v63  }
0xaa: {  	s30 =	simm.s32 $0x6430;
	s31 =	sadd.s32 $0x60, s7;
	s20 =	simm.s32 $0x2200  }
0xab: {  	[hbm4b:s29+s3] =	stream.linear.scatter [tilespmem:s28], [sflag:$0x4], $0x80, $0x38;
	[tilespmem:$0xC700] =	vst v63  }
0xac: {  	s19 =	sadd.s32 $0x1000, s7;
	s21 =	simm.s32 $0x64B8;
	s22 =	sadd.s32 $0x70, s7  }
0xad: {  	[hbm4b:s31+s3] =	stream.linear.scatter [tilespmem:s30], [sflag:$0x4], $0x80, $0x38;
	[tilespmem:$0xC700] =	vst v63  }
.LBB2_4:
0xae: {  	[hbm4b:s22+s3] =	stream.linear.scatter [tilespmem:s21], [sflag:$0x4], $0x80, $0x38;
	[tilespmem:$0xC700] =	vst v63  }
0xaf: {  	s21 =	smov.u32 s18;
	s18 =	smov.u32 s20  }
0xb0: {  	s23 =	sadd.s32 $0x1100, s20;
	s18 =	sshra.s32 s18, $0x2;
	s22 =	sadd.s32 $0x6100, s21  }
0xb1: {  	[hbm4b:s19+s3] =	stream.linear.scatter [tilespmem:s22], [sflag:$0x4], $0x80, $0x38;
	[tilespmem:$0xC700] =	vst v63  }
0xb2: {  	p0 =	sne.s32 s20, $0x18700;
	s20 =	sadd.s32 $0x6188, s21;
	s22 =	sadd.s32 $0x10, s19  }
0xb3: {  	[hbm4b:s22+s3] =	stream.linear.scatter [tilespmem:s20], [sflag:$0x4], $0x80, $0x38;
	[tilespmem:$0xC700] =	vst v63  }
0xb4: {  	s20 =	sadd.s32 $0x6210, s21;
	s22 =	sadd.s32 $0x20, s19  }
0xb5: {  	[hbm4b:s22+s3] =	stream.linear.scatter [tilespmem:s20], [sflag:$0x4], $0x80, $0x38;
	[tilespmem:$0xC700] =	vst v63  }
0xb6: {  	s20 =	sadd.s32 $0x6298, s21;
	s22 =	sadd.s32 $0x30, s19  }
0xb7: {  	[hbm4b:s22+s3] =	stream.linear.scatter [tilespmem:s20], [sflag:$0x4], $0x80, $0x38;
	[tilespmem:$0xC700] =	vst v63  }
0xb8: {  	s20 =	sadd.s32 $0x6320, s21;
	s22 =	sadd.s32 $0x40, s19  }
0xb9: {  	[hbm4b:s22+s3] =	stream.linear.scatter [tilespmem:s20], [sflag:$0x4], $0x80, $0x38;
	[tilespmem:$0xC700] =	vst v63  }
.Ltmp1:
0xba: {  	s20 =	sadd.s32 $0x63A8, s21;
	s22 =	sadd.s32 $0x50, s19;
	(pc) =	sbr.rel @p0 .LBB2_4-.Ltmp1, $4  }
0xbb: {  	[hbm4b:s22+s3] =	stream.linear.scatter [tilespmem:s20], [sflag:$0x4], $0x80, $0x38;
	[tilespmem:$0xC700] =	vst v63  }
0xbc: {  	s20 =	sadd.s32 $0x6430, s21;
	s22 =	sadd.s32 $0x60, s19;
	s21 =	sadd.s32 $0x64B8, s21  }
0xbd: {  	[hbm4b:s22+s3] =	stream.linear.scatter [tilespmem:s20], [sflag:$0x4], $0x80, $0x38;
	[tilespmem:$0xC700] =	vst v63  }
0xbe: {  	s22 =	sadd.s32 $0x70, s19;
	s19 =	sadd.s32 $0x1000, s19;
	s20 =	smov.u32 s23  }
0xbf: {  	[hbm4b:s22+s3] =	stream.linear.scatter [tilespmem:s21], [sflag:$0x4], $0x80, $0x38;
	[tilespmem:$0xC700] =	vst v63  }
0xc0: {  	s20 =	sadd.s32 $0x6100, s18  }
0xc1: {  	[hbm4b:s19+s3] =	stream.linear.scatter [tilespmem:s20], [sflag:$0x4], $0x80, $0x38;
	[tilespmem:$0xC700] =	vst v63  }
0xc2: {  	s28 =	sadd.s32 $0x6188, s18;
	s29 =	sadd.s32 $0x10, s19  }
0xc3: {  	[hbm4b:s29+s3] =	stream.linear.scatter [tilespmem:s28], [sflag:$0x4], $0x80, $0x38;
	[tilespmem:$0xC700] =	vst v63  }
0xc4: {  	s30 =	sadd.s32 $0x6210, s18;
	s31 =	sadd.s32 $0x20, s19  }
0xc5: {  	[hbm4b:s31+s3] =	stream.linear.scatter [tilespmem:s30], [sflag:$0x4], $0x80, $0x38;
	[tilespmem:$0xC700] =	vst v63  }
0xc6: {  	s21 =	sadd.s32 $0x6298, s18;
	s22 =	sadd.s32 $0x30, s19  }
0xc7: {  	[hbm4b:s22+s3] =	stream.linear.scatter [tilespmem:s21], [sflag:$0x4], $0x80, $0x38;
	[tilespmem:$0xC700] =	vst v63  }
0xc8: {  	s23 =	sadd.s32 $0x6320, s18;
	s24 =	sadd.s32 $0x40, s19  }
0xc9: {  	[hbm4b:s24+s3] =	stream.linear.scatter [tilespmem:s23], [sflag:$0x4], $0x80, $0x38;
	[tilespmem:$0xC700] =	vst v63  }
0xca: {  	s25 =	sadd.s32 $0x63A8, s18;
	s26 =	sadd.s32 $0x50, s19;
	s17 =	sadd.s32 $0x1, s17  }
0xcb: {  	[hbm4b:s26+s3] =	stream.linear.scatter [tilespmem:s25], [sflag:$0x4], $0x80, $0x38;
	[tilespmem:$0xC700] =	vst v63  }
0xcc: {  	p0 =	sne.s32 s17, s8;
	s28 =	sadd.s32 $0x6430, s18;
	s29 =	sadd.s32 $0x60, s19  }
0xcd: {  	[hbm4b:s29+s3] =	stream.linear.scatter [tilespmem:s28], [sflag:$0x4], $0x80, $0x38;
	[tilespmem:$0xC700] =	vst v63  }
.Ltmp2:
0xce: {  	s30 =	sadd.s32 $0x64B8, s18;
	s31 =	sadd.s32 $0x70, s19;
	(pc) =	sbr.rel @p0 .LBB2_1-.Ltmp2, $4  }
0xcf: {  	[hbm4b:s31+s3] =	stream.linear.scatter [tilespmem:s30], [sflag:$0x4], $0x80, $0x38;
	[tilespmem:$0xC700] =	vst v63  }
0xd0: {  	_ =	swait.ge [sflag:s16], $0x6000  }
0xd1: {  	[sflag:s16] =	ssyncset.done $0x0  }
0xd2: {  	[sflag:s16] =	ssyncadd.s32 $0xFFFFA000  }
0xd3: {  	_ =	sfence.sel $0x180000  }
0xd4: {  	[bflag:$0x0] =	sbarrier.arrive $0xFFFF  }
0xd5: {  	p0 =	sne.s32 s2, $0x0;
	_ =	strace $0x90000047  }
0xd6: {  	s0 =	sadd.s32 @!p0 $0x100000, s0;
	[bflag:$0x2] =	sbarrier.arrive $0xFFFF  }
0xd7: {  	[sflag:s0] =	ssyncadd.tile.s32 @!p0 $0x1;
	_ =	shalt  }
.Lfunc_end2:
_tile_overlayer_lowered:
.L_overlay_start_2:
0xd8: {  	(tag) =	ssettag $0x2  }
0xd9: {  	s0 =	rddreg [dreg:$0x0];
	s2 =	stileid.u32  }
0xda: {  	s1 =	rddreg [dreg:$0x1];
	p0 =	sne.s32 s2, $0x0  }
0xdb: {  	s3 =	rddreg [dreg:$0x2];
	[bflag:$0x3] =	sbarrier.arrive $0xFFFF;
	s2 =	simm.s32 @!p0 $0x1C04  }
0xdc: {  	[timem:s3], [sflag:s2] =	dma.local @!p0 [hbm:s0], s1  }
0xdd: {  	s0 =	simm.s32 @!p0 $0x4  }
0xde: {  	_ =	swait.ge @!p0 [sflag:s0], s1  }
0xdf: {  	s1 =	ssub.s32 @!p0 $0x0, s1;
	[sflag:s0] =	ssyncset.done @!p0 $0x0  }
0xe0: {  	[sflag:s0] =	ssyncadd.s32 @!p0 s1  }
0xe1: {  	[bflag:$0x3] =	sbarrier.arrive $0xFFFF  }
0xe2: {  	_ =	shalt  }

</sc_bundles>
